<compile_context>
chip_gen: v7x
topology: tpu7x:2x2x1
jax: 0.10.2.dev20260603
libtpu: 0.0.44.dev20260713+nightly
codegen_flags: <defaults>
</compile_context>

<pallas_src>
import functools

import jax
import jax.numpy as jnp
from jax import lax
from jax.experimental import pallas as pl
from jax.experimental.pallas import tpu as pltpu
from jax.experimental.pallas import tpu_sc as plsc

B, S = 64, 512
N = B * S
D = 256
NQ = 4

_info = plsc.get_sparse_core_info()
NC, NS = _info.num_cores, _info.num_subcores
NW = NC * NS
B_PER_W = N // NW
CHUNK = 8
NBUF = 8
N_CHUNKS = B_PER_W // CHUNK
N_GROUPS = N_CHUNKS // NBUF

_mesh = plsc.VectorSubcoreMesh(core_axis_name="c", subcore_axis_name="s")


@functools.partial(
    pl.kernel,
    mesh=_mesh,
    out_type=jax.ShapeDtypeStruct((N, NQ * D), jnp.float32),
    scratch_types=(
        [pltpu.VMEM((B_PER_W,), jnp.int32) for _ in range(NQ)]
        + [pltpu.VMEM((CHUNK, NQ * D), jnp.float32) for _ in range(NBUF)]
        + [pltpu.SemaphoreType.DMA for _ in range(2 * NBUF)]
    ),
)
def _gather_kernel(i0, i1, i2, i3, wx, wy, wh, ww, out, *scratch):
    idx_refs = scratch[:NQ]
    rows = scratch[NQ: NQ + NBUF]
    sem_g = scratch[NQ + NBUF: NQ + 2 * NBUF]
    sem_s = scratch[NQ + 2 * NBUF:]

    tables = (wx, wy, wh, ww)
    idx_hbm = (i0, i1, i3, i2)

    wid = lax.axis_index("s") * NC + lax.axis_index("c")
    base0 = pl.multiple_of(wid * B_PER_W, B_PER_W)

    for q in range(NQ):
        pltpu.async_copy(idx_hbm[q].at[pl.ds(base0, B_PER_W)], idx_refs[q],
                         sem_g[0])
    for q in range(NQ):
        pltpu.make_async_copy(idx_hbm[q].at[pl.ds(base0, B_PER_W)],
                              idx_refs[q], sem_g[0]).wait()

    def group(g, carry):
        goff = pl.multiple_of(g * (NBUF * CHUNK), NBUF * CHUNK)
        for b in range(NBUF):
            off = goff + b * CHUNK

            @pl.when(g > 0)
            def _drain_prev_stores():
                pltpu.make_async_copy(
                    rows[b], out.at[pl.ds(base0, CHUNK)], sem_s[b]).wait()

            for q in range(NQ):
                pltpu.async_copy(
                    tables[q].at[idx_refs[q].at[pl.ds(off, CHUNK)]],
                    rows[b].at[:, pl.ds(q * D, D)], sem_g[b])
        for b in range(NBUF):
            base = base0 + goff + b * CHUNK
            for q in range(NQ):
                pltpu.make_async_copy(
                    tables[q].at[idx_refs[q].at[pl.ds(0, CHUNK)]],
                    rows[b].at[:, pl.ds(q * D, D)], sem_g[b]).wait()
            pltpu.async_copy(rows[b], out.at[pl.ds(base, CHUNK)], sem_s[b])
        return carry

    lax.fori_loop(0, N_GROUPS, group, 0)

    for b in range(NBUF):
        pltpu.make_async_copy(
            rows[b], out.at[pl.ds(base0, CHUNK)], sem_s[b]).wait()


def kernel(bbox, Wx, Wy, Wh, Ww):
    cols = bbox.reshape(N, NQ)
    out = _gather_kernel(cols[:, 0], cols[:, 1], cols[:, 2], cols[:, 3],
                         Wx, Wy, Wh, Ww)
    return out.reshape(B, S, NQ * D)

# --- scband reference (transcript-rebuilt; emitter-appended) ---
"""Pipeline reference for scband-position-embbedings2d-24781961298642 (READ-ONLY COPY).

The authoritative reference and input builder live on the scoring server;
editing this copy changes nothing except your own understanding.
"""

import jax, jax.numpy as jnp
import numpy as np

B, S = 64, 512
MAX_POS = 1024
HIDDEN = 1024
QUARTER = HIDDEN // 4
PAD_IDX = 0


def _make_table(k):
    t = jax.random.normal(k, (MAX_POS, QUARTER), dtype=jnp.float32) * 0.02
    # nn.Embedding(padding_idx=0): row 0 is zero
    return t.at[PAD_IDX].set(0.0)


def setup_inputs(seed: int = 0) -> dict:
    key = jax.random.key(seed)
    kb, kx, ky, kh, kw = jax.random.split(key, 5)
    bbox = jax.random.randint(kb, (B, S, 4), 0, MAX_POS)
    return {
        "bbox": bbox,
        "Wx": _make_table(kx),
        "Wy": _make_table(ky),
        "Wh": _make_table(kh),
        "Ww": _make_table(kw),
    }


def reference(bbox, Wx, Wy, Wh, Ww):
    center_x = jnp.take(Wx, bbox[:, :, 0], axis=0)
    center_y = jnp.take(Wy, bbox[:, :, 1], axis=0)
    width = jnp.take(Ww, bbox[:, :, 2], axis=0)
    height = jnp.take(Wh, bbox[:, :, 3], axis=0)
    # torch forward concatenates [x, y, height, width]
    spatial = jnp.concatenate([center_x, center_y, height, width], axis=-1)
    return spatial

if __name__ == "__main__":
    import jax
    _d = setup_inputs()
    print(jax.jit(kernel)(*tuple(_d.values())))

</pallas_src>

<mosaic_0001>
#map = affine_map<(d0, d1) -> (0)>
#map1 = affine_map<(d0, d1) -> (0, 0)>
module attributes {stable_mosaic.version = 14 : i64} {
  func.func @_gather_kernel(%arg0: i32, %arg1: i32, %arg2: memref<32768xi32, #tpu.memory_space<hbm>>, %arg3: memref<32768xi32, #tpu.memory_space<hbm>>, %arg4: memref<32768xi32, #tpu.memory_space<hbm>>, %arg5: memref<32768xi32, #tpu.memory_space<hbm>>, %arg6: memref<1024x256xf32, #tpu.memory_space<hbm>>, %arg7: memref<1024x256xf32, #tpu.memory_space<hbm>>, %arg8: memref<1024x256xf32, #tpu.memory_space<hbm>>, %arg9: memref<1024x256xf32, #tpu.memory_space<hbm>>, %arg10: memref<32768x1024xf32, #tpu.memory_space<hbm>>, %arg11: memref<1024xi32, #tpu.memory_space<vmem>>, %arg12: memref<1024xi32, #tpu.memory_space<vmem>>, %arg13: memref<1024xi32, #tpu.memory_space<vmem>>, %arg14: memref<1024xi32, #tpu.memory_space<vmem>>, %arg15: memref<8x1024xf32, #tpu.memory_space<vmem>>, %arg16: memref<8x1024xf32, #tpu.memory_space<vmem>>, %arg17: memref<8x1024xf32, #tpu.memory_space<vmem>>, %arg18: memref<8x1024xf32, #tpu.memory_space<vmem>>, %arg19: memref<8x1024xf32, #tpu.memory_space<vmem>>, %arg20: memref<8x1024xf32, #tpu.memory_space<vmem>>, %arg21: memref<8x1024xf32, #tpu.memory_space<vmem>>, %arg22: memref<8x1024xf32, #tpu.memory_space<vmem>>, %arg23: memref<!tpu.dma_semaphore, #tpu.memory_space<semaphore_mem>>, %arg24: memref<!tpu.dma_semaphore, #tpu.memory_space<semaphore_mem>>, %arg25: memref<!tpu.dma_semaphore, #tpu.memory_space<semaphore_mem>>, %arg26: memref<!tpu.dma_semaphore, #tpu.memory_space<semaphore_mem>>, %arg27: memref<!tpu.dma_semaphore, #tpu.memory_space<semaphore_mem>>, %arg28: memref<!tpu.dma_semaphore, #tpu.memory_space<semaphore_mem>>, %arg29: memref<!tpu.dma_semaphore, #tpu.memory_space<semaphore_mem>>, %arg30: memref<!tpu.dma_semaphore, #tpu.memory_space<semaphore_mem>>, %arg31: memref<!tpu.dma_semaphore, #tpu.memory_space<semaphore_mem>>, %arg32: memref<!tpu.dma_semaphore, #tpu.memory_space<semaphore_mem>>, %arg33: memref<!tpu.dma_semaphore, #tpu.memory_space<semaphore_mem>>, %arg34: memref<!tpu.dma_semaphore, #tpu.memory_space<semaphore_mem>>, %arg35: memref<!tpu.dma_semaphore, #tpu.memory_space<semaphore_mem>>, %arg36: memref<!tpu.dma_semaphore, #tpu.memory_space<semaphore_mem>>, %arg37: memref<!tpu.dma_semaphore, #tpu.memory_space<semaphore_mem>>, %arg38: memref<!tpu.dma_semaphore, #tpu.memory_space<semaphore_mem>>) attributes {dimension_semantics = [#tpu.dimension_semantics<core_parallel>, #tpu.dimension_semantics<subcore_parallel>], iteration_bounds = array<i64: 2, 16>, scalar_prefetch = 0 : i64, scratch_operands = 28 : i64, tpu.core_type = #tpu.core_type<sc_vector_subcore>, window_params = [{transform_indices = #map}, {transform_indices = #map}, {transform_indices = #map}, {transform_indices = #map}, {transform_indices = #map1}, {transform_indices = #map1}, {transform_indices = #map1}, {transform_indices = #map1}, {transform_indices = #map1}]} {
    %mul3A = arith.constant 2 : i32
    %mul3A_0 = arith.muli %arg1, %mul3A : i32
    %add3A = arith.addi %mul3A_0, %arg0 : i32
    %mul3A_1 = arith.constant 1024 : i32
    %mul3A_2 = arith.muli %add3A, %mul3A_1 : i32
    %multiple_of3A = tpu.assume_multiple %mul3A_2, 1024 : i32
    %dma_start3A = tpu.memref_slice %arg2[%multiple_of3A] : memref<32768xi32, #tpu.memory_space<hbm>> -> memref<1024xi32, #tpu.memory_space<hbm>>
    %dma_start3A_3 = tpu.memref_slice %arg2[%multiple_of3A] : memref<32768xi32, #tpu.memory_space<hbm>> -> memref<1024xi32, #tpu.memory_space<hbm>>
    tpu.enqueue_dma source(%dma_start3A_3 : memref<1024xi32, #tpu.memory_space<hbm>>) target(%arg11 : memref<1024xi32, #tpu.memory_space<vmem>>) target_semaphore(%arg23 : memref<!tpu.dma_semaphore, #tpu.memory_space<semaphore_mem>>)
    %dma_start3A_4 = tpu.memref_slice %arg3[%multiple_of3A] : memref<32768xi32, #tpu.memory_space<hbm>> -> memref<1024xi32, #tpu.memory_space<hbm>>
    %dma_start3A_5 = tpu.memref_slice %arg3[%multiple_of3A] : memref<32768xi32, #tpu.memory_space<hbm>> -> memref<1024xi32, #tpu.memory_space<hbm>>
    tpu.enqueue_dma source(%dma_start3A_5 : memref<1024xi32, #tpu.memory_space<hbm>>) target(%arg12 : memref<1024xi32, #tpu.memory_space<vmem>>) target_semaphore(%arg23 : memref<!tpu.dma_semaphore, #tpu.memory_space<semaphore_mem>>)
    %dma_start3A_6 = tpu.memref_slice %arg5[%multiple_of3A] : memref<32768xi32, #tpu.memory_space<hbm>> -> memref<1024xi32, #tpu.memory_space<hbm>>
    %dma_start3A_7 = tpu.memref_slice %arg5[%multiple_of3A] : memref<32768xi32, #tpu.memory_space<hbm>> -> memref<1024xi32, #tpu.memory_space<hbm>>
    tpu.enqueue_dma source(%dma_start3A_7 : memref<1024xi32, #tpu.memory_space<hbm>>) target(%arg13 : memref<1024xi32, #tpu.memory_space<vmem>>) target_semaphore(%arg23 : memref<!tpu.dma_semaphore, #tpu.memory_space<semaphore_mem>>)
    %dma_start3A_8 = tpu.memref_slice %arg4[%multiple_of3A] : memref<32768xi32, #tpu.memory_space<hbm>> -> memref<1024xi32, #tpu.memory_space<hbm>>
    %dma_start3A_9 = tpu.memref_slice %arg4[%multiple_of3A] : memref<32768xi32, #tpu.memory_space<hbm>> -> memref<1024xi32, #tpu.memory_space<hbm>>
    tpu.enqueue_dma source(%dma_start3A_9 : memref<1024xi32, #tpu.memory_space<hbm>>) target(%arg14 : memref<1024xi32, #tpu.memory_space<vmem>>) target_semaphore(%arg23 : memref<!tpu.dma_semaphore, #tpu.memory_space<semaphore_mem>>)
    %dma_wait3A = tpu.memref_slice %arg2[%multiple_of3A] : memref<32768xi32, #tpu.memory_space<hbm>> -> memref<1024xi32, #tpu.memory_space<hbm>>
    %dma_wait3A_10 = tpu.memref_slice %arg2[%multiple_of3A] : memref<32768xi32, #tpu.memory_space<hbm>> -> memref<1024xi32, #tpu.memory_space<hbm>>
    tpu.wait_dma2 semaphore(%arg23 : memref<!tpu.dma_semaphore, #tpu.memory_space<semaphore_mem>>) src(%dma_wait3A_10 : memref<1024xi32, #tpu.memory_space<hbm>>) dst(%arg11 : memref<1024xi32, #tpu.memory_space<vmem>>)
    %dma_wait3A_11 = tpu.memref_slice %arg3[%multiple_of3A] : memref<32768xi32, #tpu.memory_space<hbm>> -> memref<1024xi32, #tpu.memory_space<hbm>>
    %dma_wait3A_12 = tpu.memref_slice %arg3[%multiple_of3A] : memref<32768xi32, #tpu.memory_space<hbm>> -> memref<1024xi32, #tpu.memory_space<hbm>>
    tpu.wait_dma2 semaphore(%arg23 : memref<!tpu.dma_semaphore, #tpu.memory_space<semaphore_mem>>) src(%dma_wait3A_12 : memref<1024xi32, #tpu.memory_space<hbm>>) dst(%arg12 : memref<1024xi32, #tpu.memory_space<vmem>>)
    %dma_wait3A_13 = tpu.memref_slice %arg5[%multiple_of3A] : memref<32768xi32, #tpu.memory_space<hbm>> -> memref<1024xi32, #tpu.memory_space<hbm>>
    %dma_wait3A_14 = tpu.memref_slice %arg5[%multiple_of3A] : memref<32768xi32, #tpu.memory_space<hbm>> -> memref<1024xi32, #tpu.memory_space<hbm>>
    tpu.wait_dma2 semaphore(%arg23 : memref<!tpu.dma_semaphore, #tpu.memory_space<semaphore_mem>>) src(%dma_wait3A_14 : memref<1024xi32, #tpu.memory_space<hbm>>) dst(%arg13 : memref<1024xi32, #tpu.memory_space<vmem>>)
    %dma_wait3A_15 = tpu.memref_slice %arg4[%multiple_of3A] : memref<32768xi32, #tpu.memory_space<hbm>> -> memref<1024xi32, #tpu.memory_space<hbm>>
    %dma_wait3A_16 = tpu.memref_slice %arg4[%multiple_of3A] : memref<32768xi32, #tpu.memory_space<hbm>> -> memref<1024xi32, #tpu.memory_space<hbm>>
    tpu.wait_dma2 semaphore(%arg23 : memref<!tpu.dma_semaphore, #tpu.memory_space<semaphore_mem>>) src(%dma_wait3A_16 : memref<1024xi32, #tpu.memory_space<hbm>>) dst(%arg14 : memref<1024xi32, #tpu.memory_space<vmem>>)
    %scan3A = arith.constant 0 : i32
    %scan3A_17 = arith.constant 0 : i32
    %scan3A_18 = arith.constant 16 : i32
    %scan3A_19 = arith.addi %scan3A_17, %scan3A_18 : i32
    %scan3A_20 = arith.constant 1 : i32
    scf.for %scan3A_54 = %scan3A_17 to %scan3A_19 step %scan3A_20  : i32 {
      %mul3A_55 = arith.constant 64 : i32
      %mul3A_56 = arith.muli %scan3A_54, %mul3A_55 : i32
      %multiple_of3A_57 = tpu.assume_multiple %mul3A_56, 64 : i32
      %add3A_58 = arith.constant 0 : i32
      %add3A_59 = arith.addi %multiple_of3A_57, %add3A_58 : i32
      %gt3A = arith.constant 0 : i32
      %gt3A_60 = arith.cmpi sgt, %scan3A_54, %gt3A : i32
      %convert_element_type3A = arith.extui %gt3A_60 : i1 to i32
      %cond3A = arith.constant 0 : i32
      %cond3A_61 = arith.cmpi ne, %convert_element_type3A, %cond3A : i32
      scf.if %cond3A_61 {
        %dma_wait3A_647 = arith.constant 0 : i32
        %dma_wait3A_648 = tpu.memref_slice %arg10[%multiple_of3A, %dma_wait3A_647] : memref<32768x1024xf32, #tpu.memory_space<hbm>> -> memref<8x1024xf32, #tpu.memory_space<hbm>>
        %dma_wait3A_649 = arith.constant 0 : i32
        %dma_wait3A_650 = tpu.memref_slice %arg10[%multiple_of3A, %dma_wait3A_649] : memref<32768x1024xf32, #tpu.memory_space<hbm>> -> memref<8x1024xf32, #tpu.memory_space<hbm>>
        tpu.wait_dma2 semaphore(%arg31 : memref<!tpu.dma_semaphore, #tpu.memory_space<semaphore_mem>>) src(%arg15 : memref<8x1024xf32, #tpu.memory_space<vmem>>) dst(%dma_wait3A_650 : memref<8x1024xf32, #tpu.memory_space<hbm>>)
      } else {
      }
      %dma_start3A_62 = arith.constant 0 : i32
      %dma_start3A_63 = arith.constant 0 : i32
      %dma_start3A_64 = tpu.memref_slice %arg15[%dma_start3A_62, %dma_start3A_63] : memref<8x1024xf32, #tpu.memory_space<vmem>> -> memref<8x256xf32, #tpu.memory_space<vmem>>
      %dma_start3A_65 = tpu.memref_slice %arg11[%add3A_59] : memref<1024xi32, #tpu.memory_space<vmem>> -> memref<8xi32, #tpu.memory_space<vmem>>
      %dma_start3A_66 = arith.constant 0 : i32
      %dma_start3A_67 = arith.constant 0 : i32
      %dma_start3A_68 = tpu.memref_slice %arg6[%dma_start3A_66, %dma_start3A_67] : memref<1024x256xf32, #tpu.memory_space<hbm>> -> memref<1024x256xf32, #tpu.memory_space<hbm>>
      tpu.enqueue_indirect_dma source(%dma_start3A_68 : memref<1024x256xf32, #tpu.memory_space<hbm>>) target(%dma_start3A_64 : memref<8x256xf32, #tpu.memory_space<vmem>>) offsets(%dma_start3A_65 : memref<8xi32, #tpu.memory_space<vmem>>) semaphore(%arg23 : memref<!tpu.dma_semaphore, #tpu.memory_space<semaphore_mem>>)
      %dma_start3A_69 = arith.constant 0 : i32
      %dma_start3A_70 = arith.constant 256 : i32
      %dma_start3A_71 = tpu.memref_slice %arg15[%dma_start3A_69, %dma_start3A_70] : memref<8x1024xf32, #tpu.memory_space<vmem>> -> memref<8x256xf32, #tpu.memory_space<vmem>>
      %dma_start3A_72 = tpu.memref_slice %arg12[%add3A_59] : memref<1024xi32, #tpu.memory_space<vmem>> -> memref<8xi32, #tpu.memory_space<vmem>>
      %dma_start3A_73 = arith.constant 0 : i32
      %dma_start3A_74 = arith.constant 0 : i32
      %dma_start3A_75 = tpu.memref_slice %arg7[%dma_start3A_73, %dma_start3A_74] : memref<1024x256xf32, #tpu.memory_space<hbm>> -> memref<1024x256xf32, #tpu.memory_space<hbm>>
      tpu.enqueue_indirect_dma source(%dma_start3A_75 : memref<1024x256xf32, #tpu.memory_space<hbm>>) target(%dma_start3A_71 : memref<8x256xf32, #tpu.memory_space<vmem>>) offsets(%dma_start3A_72 : memref<8xi32, #tpu.memory_space<vmem>>) semaphore(%arg23 : memref<!tpu.dma_semaphore, #tpu.memory_space<semaphore_mem>>)
      %dma_start3A_76 = arith.constant 0 : i32
      %dma_start3A_77 = arith.constant 512 : i32
      %dma_start3A_78 = tpu.memref_slice %arg15[%dma_start3A_76, %dma_start3A_77] : memref<8x1024xf32, #tpu.memory_space<vmem>> -> memref<8x256xf32, #tpu.memory_space<vmem>>
      %dma_start3A_79 = tpu.memref_slice %arg13[%add3A_59] : memref<1024xi32, #tpu.memory_space<vmem>> -> memref<8xi32, #tpu.memory_space<vmem>>
      %dma_start3A_80 = arith.constant 0 : i32
      %dma_start3A_81 = arith.constant 0 : i32
      %dma_start3A_82 = tpu.memref_slice %arg8[%dma_start3A_80, %dma_start3A_81] : memref<1024x256xf32, #tpu.memory_space<hbm>> -> memref<1024x256xf32, #tpu.memory_space<hbm>>
      tpu.enqueue_indirect_dma source(%dma_start3A_82 : memref<1024x256xf32, #tpu.memory_space<hbm>>) target(%dma_start3A_78 : memref<8x256xf32, #tpu.memory_space<vmem>>) offsets(%dma_start3A_79 : memref<8xi32, #tpu.memory_space<vmem>>) semaphore(%arg23 : memref<!tpu.dma_semaphore, #tpu.memory_space<semaphore_mem>>)
      %dma_start3A_83 = arith.constant 0 : i32
      %dma_start3A_84 = arith.constant 768 : i32
      %dma_start3A_85 = tpu.memref_slice %arg15[%dma_start3A_83, %dma_start3A_84] : memref<8x1024xf32, #tpu.memory_space<vmem>> -> memref<8x256xf32, #tpu.memory_space<vmem>>
      %dma_start3A_86 = tpu.memref_slice %arg14[%add3A_59] : memref<1024xi32, #tpu.memory_space<vmem>> -> memref<8xi32, #tpu.memory_space<vmem>>
      %dma_start3A_87 = arith.constant 0 : i32
      %dma_start3A_88 = arith.constant 0 : i32
      %dma_start3A_89 = tpu.memref_slice %arg9[%dma_start3A_87, %dma_start3A_88] : memref<1024x256xf32, #tpu.memory_space<hbm>> -> memref<1024x256xf32, #tpu.memory_space<hbm>>
      tpu.enqueue_indirect_dma source(%dma_start3A_89 : memref<1024x256xf32, #tpu.memory_space<hbm>>) target(%dma_start3A_85 : memref<8x256xf32, #tpu.memory_space<vmem>>) offsets(%dma_start3A_86 : memref<8xi32, #tpu.memory_space<vmem>>) semaphore(%arg23 : memref<!tpu.dma_semaphore, #tpu.memory_space<semaphore_mem>>)
      %add3A_90 = arith.constant 8 : i32
      %add3A_91 = arith.addi %multiple_of3A_57, %add3A_90 : i32
      %gt3A_92 = arith.constant 0 : i32
      %gt3A_93 = arith.cmpi sgt, %scan3A_54, %gt3A_92 : i32
      %convert_element_type3A_94 = arith.extui %gt3A_93 : i1 to i32
      %cond3A_95 = arith.constant 0 : i32
      %cond3A_96 = arith.cmpi ne, %convert_element_type3A_94, %cond3A_95 : i32
      scf.if %cond3A_96 {
        %dma_wait3A_647 = arith.constant 0 : i32
        %dma_wait3A_648 = tpu.memref_slice %arg10[%multiple_of3A, %dma_wait3A_647] : memref<32768x1024xf32, #tpu.memory_space<hbm>> -> memref<8x1024xf32, #tpu.memory_space<hbm>>
        %dma_wait3A_649 = arith.constant 0 : i32
        %dma_wait3A_650 = tpu.memref_slice %arg10[%multiple_of3A, %dma_wait3A_649] : memref<32768x1024xf32, #tpu.memory_space<hbm>> -> memref<8x1024xf32, #tpu.memory_space<hbm>>
        tpu.wait_dma2 semaphore(%arg32 : memref<!tpu.dma_semaphore, #tpu.memory_space<semaphore_mem>>) src(%arg16 : memref<8x1024xf32, #tpu.memory_space<vmem>>) dst(%dma_wait3A_650 : memref<8x1024xf32, #tpu.memory_space<hbm>>)
      } else {
      }
      %dma_start3A_97 = arith.constant 0 : i32
      %dma_start3A_98 = arith.constant 0 : i32
      %dma_start3A_99 = tpu.memref_slice %arg16[%dma_start3A_97, %dma_start3A_98] : memref<8x1024xf32, #tpu.memory_space<vmem>> -> memref<8x256xf32, #tpu.memory_space<vmem>>
      %dma_start3A_100 = tpu.memref_slice %arg11[%add3A_91] : memref<1024xi32, #tpu.memory_space<vmem>> -> memref<8xi32, #tpu.memory_space<vmem>>
      %dma_start3A_101 = arith.constant 0 : i32
      %dma_start3A_102 = arith.constant 0 : i32
      %dma_start3A_103 = tpu.memref_slice %arg6[%dma_start3A_101, %dma_start3A_102] : memref<1024x256xf32, #tpu.memory_space<hbm>> -> memref<1024x256xf32, #tpu.memory_space<hbm>>
      tpu.enqueue_indirect_dma source(%dma_start3A_103 : memref<1024x256xf32, #tpu.memory_space<hbm>>) target(%dma_start3A_99 : memref<8x256xf32, #tpu.memory_space<vmem>>) offsets(%dma_start3A_100 : memref<8xi32, #tpu.memory_space<vmem>>) semaphore(%arg24 : memref<!tpu.dma_semaphore, #tpu.memory_space<semaphore_mem>>)
      %dma_start3A_104 = arith.constant 0 : i32
      %dma_start3A_105 = arith.constant 256 : i32
      %dma_start3A_106 = tpu.memref_slice %arg16[%dma_start3A_104, %dma_start3A_105] : memref<8x1024xf32, #tpu.memory_space<vmem>> -> memref<8x256xf32, #tpu.memory_space<vmem>>
      %dma_start3A_107 = tpu.memref_slice %arg12[%add3A_91] : memref<1024xi32, #tpu.memory_space<vmem>> -> memref<8xi32, #tpu.memory_space<vmem>>
      %dma_start3A_108 = arith.constant 0 : i32
      %dma_start3A_109 = arith.constant 0 : i32
      %dma_start3A_110 = tpu.memref_slice %arg7[%dma_start3A_108, %dma_start3A_109] : memref<1024x256xf32, #tpu.memory_space<hbm>> -> memref<1024x256xf32, #tpu.memory_space<hbm>>
      tpu.enqueue_indirect_dma source(%dma_start3A_110 : memref<1024x256xf32, #tpu.memory_space<hbm>>) target(%dma_start3A_106 : memref<8x256xf32, #tpu.memory_space<vmem>>) offsets(%dma_start3A_107 : memref<8xi32, #tpu.memory_space<vmem>>) semaphore(%arg24 : memref<!tpu.dma_semaphore, #tpu.memory_space<semaphore_mem>>)
      %dma_start3A_111 = arith.constant 0 : i32
      %dma_start3A_112 = arith.constant 512 : i32
      %dma_start3A_113 = tpu.memref_slice %arg16[%dma_start3A_111, %dma_start3A_112] : memref<8x1024xf32, #tpu.memory_space<vmem>> -> memref<8x256xf32, #tpu.memory_space<vmem>>
      %dma_start3A_114 = tpu.memref_slice %arg13[%add3A_91] : memref<1024xi32, #tpu.memory_space<vmem>> -> memref<8xi32, #tpu.memory_space<vmem>>
      %dma_start3A_115 = arith.constant 0 : i32
      %dma_start3A_116 = arith.constant 0 : i32
      %dma_start3A_117 = tpu.memref_slice %arg8[%dma_start3A_115, %dma_start3A_116] : memref<1024x256xf32, #tpu.memory_space<hbm>> -> memref<1024x256xf32, #tpu.memory_space<hbm>>
      tpu.enqueue_indirect_dma source(%dma_start3A_117 : memref<1024x256xf32, #tpu.memory_space<hbm>>) target(%dma_start3A_113 : memref<8x256xf32, #tpu.memory_space<vmem>>) offsets(%dma_start3A_114 : memref<8xi32, #tpu.memory_space<vmem>>) semaphore(%arg24 : memref<!tpu.dma_semaphore, #tpu.memory_space<semaphore_mem>>)
      %dma_start3A_118 = arith.constant 0 : i32
      %dma_start3A_119 = arith.constant 768 : i32
      %dma_start3A_120 = tpu.memref_slice %arg16[%dma_start3A_118, %dma_start3A_119] : memref<8x1024xf32, #tpu.memory_space<vmem>> -> memref<8x256xf32, #tpu.memory_space<vmem>>
      %dma_start3A_121 = tpu.memref_slice %arg14[%add3A_91] : memref<1024xi32, #tpu.memory_space<vmem>> -> memref<8xi32, #tpu.memory_space<vmem>>
      %dma_start3A_122 = arith.constant 0 : i32
      %dma_start3A_123 = arith.constant 0 : i32
      %dma_start3A_124 = tpu.memref_slice %arg9[%dma_start3A_122, %dma_start3A_123] : memref<1024x256xf32, #tpu.memory_space<hbm>> -> memref<1024x256xf32, #tpu.memory_space<hbm>>
      tpu.enqueue_indirect_dma source(%dma_start3A_124 : memref<1024x256xf32, #tpu.memory_space<hbm>>) target(%dma_start3A_120 : memref<8x256xf32, #tpu.memory_space<vmem>>) offsets(%dma_start3A_121 : memref<8xi32, #tpu.memory_space<vmem>>) semaphore(%arg24 : memref<!tpu.dma_semaphore, #tpu.memory_space<semaphore_mem>>)
      %add3A_125 = arith.constant 16 : i32
      %add3A_126 = arith.addi %multiple_of3A_57, %add3A_125 : i32
      %gt3A_127 = arith.constant 0 : i32
      %gt3A_128 = arith.cmpi sgt, %scan3A_54, %gt3A_127 : i32
      %convert_element_type3A_129 = arith.extui %gt3A_128 : i1 to i32
      %cond3A_130 = arith.constant 0 : i32
      %cond3A_131 = arith.cmpi ne, %convert_element_type3A_129, %cond3A_130 : i32
      scf.if %cond3A_131 {
        %dma_wait3A_647 = arith.constant 0 : i32
        %dma_wait3A_648 = tpu.memref_slice %arg10[%multiple_of3A, %dma_wait3A_647] : memref<32768x1024xf32, #tpu.memory_space<hbm>> -> memref<8x1024xf32, #tpu.memory_space<hbm>>
        %dma_wait3A_649 = arith.constant 0 : i32
        %dma_wait3A_650 = tpu.memref_slice %arg10[%multiple_of3A, %dma_wait3A_649] : memref<32768x1024xf32, #tpu.memory_space<hbm>> -> memref<8x1024xf32, #tpu.memory_space<hbm>>
        tpu.wait_dma2 semaphore(%arg33 : memref<!tpu.dma_semaphore, #tpu.memory_space<semaphore_mem>>) src(%arg17 : memref<8x1024xf32, #tpu.memory_space<vmem>>) dst(%dma_wait3A_650 : memref<8x1024xf32, #tpu.memory_space<hbm>>)
      } else {
      }
      %dma_start3A_132 = arith.constant 0 : i32
      %dma_start3A_133 = arith.constant 0 : i32
      %dma_start3A_134 = tpu.memref_slice %arg17[%dma_start3A_132, %dma_start3A_133] : memref<8x1024xf32, #tpu.memory_space<vmem>> -> memref<8x256xf32, #tpu.memory_space<vmem>>
      %dma_start3A_135 = tpu.memref_slice %arg11[%add3A_126] : memref<1024xi32, #tpu.memory_space<vmem>> -> memref<8xi32, #tpu.memory_space<vmem>>
      %dma_start3A_136 = arith.constant 0 : i32
      %dma_start3A_137 = arith.constant 0 : i32
      %dma_start3A_138 = tpu.memref_slice %arg6[%dma_start3A_136, %dma_start3A_137] : memref<1024x256xf32, #tpu.memory_space<hbm>> -> memref<1024x256xf32, #tpu.memory_space<hbm>>
      tpu.enqueue_indirect_dma source(%dma_start3A_138 : memref<1024x256xf32, #tpu.memory_space<hbm>>) target(%dma_start3A_134 : memref<8x256xf32, #tpu.memory_space<vmem>>) offsets(%dma_start3A_135 : memref<8xi32, #tpu.memory_space<vmem>>) semaphore(%arg25 : memref<!tpu.dma_semaphore, #tpu.memory_space<semaphore_mem>>)
      %dma_start3A_139 = arith.constant 0 : i32
      %dma_start3A_140 = arith.constant 256 : i32
      %dma_start3A_141 = tpu.memref_slice %arg17[%dma_start3A_139, %dma_start3A_140] : memref<8x1024xf32, #tpu.memory_space<vmem>> -> memref<8x256xf32, #tpu.memory_space<vmem>>
      %dma_start3A_142 = tpu.memref_slice %arg12[%add3A_126] : memref<1024xi32, #tpu.memory_space<vmem>> -> memref<8xi32, #tpu.memory_space<vmem>>
      %dma_start3A_143 = arith.constant 0 : i32
      %dma_start3A_144 = arith.constant 0 : i32
      %dma_start3A_145 = tpu.memref_slice %arg7[%dma_start3A_143, %dma_start3A_144] : memref<1024x256xf32, #tpu.memory_space<hbm>> -> memref<1024x256xf32, #tpu.memory_space<hbm>>
      tpu.enqueue_indirect_dma source(%dma_start3A_145 : memref<1024x256xf32, #tpu.memory_space<hbm>>) target(%dma_start3A_141 : memref<8x256xf32, #tpu.memory_space<vmem>>) offsets(%dma_start3A_142 : memref<8xi32, #tpu.memory_space<vmem>>) semaphore(%arg25 : memref<!tpu.dma_semaphore, #tpu.memory_space<semaphore_mem>>)
      %dma_start3A_146 = arith.constant 0 : i32
      %dma_start3A_147 = arith.constant 512 : i32
      %dma_start3A_148 = tpu.memref_slice %arg17[%dma_start3A_146, %dma_start3A_147] : memref<8x1024xf32, #tpu.memory_space<vmem>> -> memref<8x256xf32, #tpu.memory_space<vmem>>
      %dma_start3A_149 = tpu.memref_slice %arg13[%add3A_126] : memref<1024xi32, #tpu.memory_space<vmem>> -> memref<8xi32, #tpu.memory_space<vmem>>
      %dma_start3A_150 = arith.constant 0 : i32
      %dma_start3A_151 = arith.constant 0 : i32
      %dma_start3A_152 = tpu.memref_slice %arg8[%dma_start3A_150, %dma_start3A_151] : memref<1024x256xf32, #tpu.memory_space<hbm>> -> memref<1024x256xf32, #tpu.memory_space<hbm>>
      tpu.enqueue_indirect_dma source(%dma_start3A_152 : memref<1024x256xf32, #tpu.memory_space<hbm>>) target(%dma_start3A_148 : memref<8x256xf32, #tpu.memory_space<vmem>>) offsets(%dma_start3A_149 : memref<8xi32, #tpu.memory_space<vmem>>) semaphore(%arg25 : memref<!tpu.dma_semaphore, #tpu.memory_space<semaphore_mem>>)
      %dma_start3A_153 = arith.constant 0 : i32
      %dma_start3A_154 = arith.constant 768 : i32
      %dma_start3A_155 = tpu.memref_slice %arg17[%dma_start3A_153, %dma_start3A_154] : memref<8x1024xf32, #tpu.memory_space<vmem>> -> memref<8x256xf32, #tpu.memory_space<vmem>>
      %dma_start3A_156 = tpu.memref_slice %arg14[%add3A_126] : memref<1024xi32, #tpu.memory_space<vmem>> -> memref<8xi32, #tpu.memory_space<vmem>>
      %dma_start3A_157 = arith.constant 0 : i32
      %dma_start3A_158 = arith.constant 0 : i32
      %dma_start3A_159 = tpu.memref_slice %arg9[%dma_start3A_157, %dma_start3A_158] : memref<1024x256xf32, #tpu.memory_space<hbm>> -> memref<1024x256xf32, #tpu.memory_space<hbm>>
      tpu.enqueue_indirect_dma source(%dma_start3A_159 : memref<1024x256xf32, #tpu.memory_space<hbm>>) target(%dma_start3A_155 : memref<8x256xf32, #tpu.memory_space<vmem>>) offsets(%dma_start3A_156 : memref<8xi32, #tpu.memory_space<vmem>>) semaphore(%arg25 : memref<!tpu.dma_semaphore, #tpu.memory_space<semaphore_mem>>)
      %add3A_160 = arith.constant 24 : i32
      %add3A_161 = arith.addi %multiple_of3A_57, %add3A_160 : i32
      %gt3A_162 = arith.constant 0 : i32
      %gt3A_163 = arith.cmpi sgt, %scan3A_54, %gt3A_162 : i32
      %convert_element_type3A_164 = arith.extui %gt3A_163 : i1 to i32
      %cond3A_165 = arith.constant 0 : i32
      %cond3A_166 = arith.cmpi ne, %convert_element_type3A_164, %cond3A_165 : i32
      scf.if %cond3A_166 {
        %dma_wait3A_647 = arith.constant 0 : i32
        %dma_wait3A_648 = tpu.memref_slice %arg10[%multiple_of3A, %dma_wait3A_647] : memref<32768x1024xf32, #tpu.memory_space<hbm>> -> memref<8x1024xf32, #tpu.memory_space<hbm>>
        %dma_wait3A_649 = arith.constant 0 : i32
        %dma_wait3A_650 = tpu.memref_slice %arg10[%multiple_of3A, %dma_wait3A_649] : memref<32768x1024xf32, #tpu.memory_space<hbm>> -> memref<8x1024xf32, #tpu.memory_space<hbm>>
        tpu.wait_dma2 semaphore(%arg34 : memref<!tpu.dma_semaphore, #tpu.memory_space<semaphore_mem>>) src(%arg18 : memref<8x1024xf32, #tpu.memory_space<vmem>>) dst(%dma_wait3A_650 : memref<8x1024xf32, #tpu.memory_space<hbm>>)
      } else {
      }
      %dma_start3A_167 = arith.constant 0 : i32
      %dma_start3A_168 = arith.constant 0 : i32
      %dma_start3A_169 = tpu.memref_slice %arg18[%dma_start3A_167, %dma_start3A_168] : memref<8x1024xf32, #tpu.memory_space<vmem>> -> memref<8x256xf32, #tpu.memory_space<vmem>>
      %dma_start3A_170 = tpu.memref_slice %arg11[%add3A_161] : memref<1024xi32, #tpu.memory_space<vmem>> -> memref<8xi32, #tpu.memory_space<vmem>>
      %dma_start3A_171 = arith.constant 0 : i32
      %dma_start3A_172 = arith.constant 0 : i32
      %dma_start3A_173 = tpu.memref_slice %arg6[%dma_start3A_171, %dma_start3A_172] : memref<1024x256xf32, #tpu.memory_space<hbm>> -> memref<1024x256xf32, #tpu.memory_space<hbm>>
      tpu.enqueue_indirect_dma source(%dma_start3A_173 : memref<1024x256xf32, #tpu.memory_space<hbm>>) target(%dma_start3A_169 : memref<8x256xf32, #tpu.memory_space<vmem>>) offsets(%dma_start3A_170 : memref<8xi32, #tpu.memory_space<vmem>>) semaphore(%arg26 : memref<!tpu.dma_semaphore, #tpu.memory_space<semaphore_mem>>)
      %dma_start3A_174 = arith.constant 0 : i32
      %dma_start3A_175 = arith.constant 256 : i32
      %dma_start3A_176 = tpu.memref_slice %arg18[%dma_start3A_174, %dma_start3A_175] : memref<8x1024xf32, #tpu.memory_space<vmem>> -> memref<8x256xf32, #tpu.memory_space<vmem>>
      %dma_start3A_177 = tpu.memref_slice %arg12[%add3A_161] : memref<1024xi32, #tpu.memory_space<vmem>> -> memref<8xi32, #tpu.memory_space<vmem>>
      %dma_start3A_178 = arith.constant 0 : i32
      %dma_start3A_179 = arith.constant 0 : i32
      %dma_start3A_180 = tpu.memref_slice %arg7[%dma_start3A_178, %dma_start3A_179] : memref<1024x256xf32, #tpu.memory_space<hbm>> -> memref<1024x256xf32, #tpu.memory_space<hbm>>
      tpu.enqueue_indirect_dma source(%dma_start3A_180 : memref<1024x256xf32, #tpu.memory_space<hbm>>) target(%dma_start3A_176 : memref<8x256xf32, #tpu.memory_space<vmem>>) offsets(%dma_start3A_177 : memref<8xi32, #tpu.memory_space<vmem>>) semaphore(%arg26 : memref<!tpu.dma_semaphore, #tpu.memory_space<semaphore_mem>>)
      %dma_start3A_181 = arith.constant 0 : i32
      %dma_start3A_182 = arith.constant 512 : i32
      %dma_start3A_183 = tpu.memref_slice %arg18[%dma_start3A_181, %dma_start3A_182] : memref<8x1024xf32, #tpu.memory_space<vmem>> -> memref<8x256xf32, #tpu.memory_space<vmem>>
      %dma_start3A_184 = tpu.memref_slice %arg13[%add3A_161] : memref<1024xi32, #tpu.memory_space<vmem>> -> memref<8xi32, #tpu.memory_space<vmem>>
      %dma_start3A_185 = arith.constant 0 : i32
      %dma_start3A_186 = arith.constant 0 : i32
      %dma_start3A_187 = tpu.memref_slice %arg8[%dma_start3A_185, %dma_start3A_186] : memref<1024x256xf32, #tpu.memory_space<hbm>> -> memref<1024x256xf32, #tpu.memory_space<hbm>>
      tpu.enqueue_indirect_dma source(%dma_start3A_187 : memref<1024x256xf32, #tpu.memory_space<hbm>>) target(%dma_start3A_183 : memref<8x256xf32, #tpu.memory_space<vmem>>) offsets(%dma_start3A_184 : memref<8xi32, #tpu.memory_space<vmem>>) semaphore(%arg26 : memref<!tpu.dma_semaphore, #tpu.memory_space<semaphore_mem>>)
      %dma_start3A_188 = arith.constant 0 : i32
      %dma_start3A_189 = arith.constant 768 : i32
      %dma_start3A_190 = tpu.memref_slice %arg18[%dma_start3A_188, %dma_start3A_189] : memref<8x1024xf32, #tpu.memory_space<vmem>> -> memref<8x256xf32, #tpu.memory_space<vmem>>
      %dma_start3A_191 = tpu.memref_slice %arg14[%add3A_161] : memref<1024xi32, #tpu.memory_space<vmem>> -> memref<8xi32, #tpu.memory_space<vmem>>
      %dma_start3A_192 = arith.constant 0 : i32
      %dma_start3A_193 = arith.constant 0 : i32
      %dma_start3A_194 = tpu.memref_slice %arg9[%dma_start3A_192, %dma_start3A_193] : memref<1024x256xf32, #tpu.memory_space<hbm>> -> memref<1024x256xf32, #tpu.memory_space<hbm>>
      tpu.enqueue_indirect_dma source(%dma_start3A_194 : memref<1024x256xf32, #tpu.memory_space<hbm>>) target(%dma_start3A_190 : memref<8x256xf32, #tpu.memory_space<vmem>>) offsets(%dma_start3A_191 : memref<8xi32, #tpu.memory_space<vmem>>) semaphore(%arg26 : memref<!tpu.dma_semaphore, #tpu.memory_space<semaphore_mem>>)
      %add3A_195 = arith.constant 32 : i32
      %add3A_196 = arith.addi %multiple_of3A_57, %add3A_195 : i32
      %gt3A_197 = arith.constant 0 : i32
      %gt3A_198 = arith.cmpi sgt, %scan3A_54, %gt3A_197 : i32
      %convert_element_type3A_199 = arith.extui %gt3A_198 : i1 to i32
      %cond3A_200 = arith.constant 0 : i32
      %cond3A_201 = arith.cmpi ne, %convert_element_type3A_199, %cond3A_200 : i32
      scf.if %cond3A_201 {
        %dma_wait3A_647 = arith.constant 0 : i32
        %dma_wait3A_648 = tpu.memref_slice %arg10[%multiple_of3A, %dma_wait3A_647] : memref<32768x1024xf32, #tpu.memory_space<hbm>> -> memref<8x1024xf32, #tpu.memory_space<hbm>>
        %dma_wait3A_649 = arith.constant 0 : i32
        %dma_wait3A_650 = tpu.memref_slice %arg10[%multiple_of3A, %dma_wait3A_649] : memref<32768x1024xf32, #tpu.memory_space<hbm>> -> memref<8x1024xf32, #tpu.memory_space<hbm>>
        tpu.wait_dma2 semaphore(%arg35 : memref<!tpu.dma_semaphore, #tpu.memory_space<semaphore_mem>>) src(%arg19 : memref<8x1024xf32, #tpu.memory_space<vmem>>) dst(%dma_wait3A_650 : memref<8x1024xf32, #tpu.memory_space<hbm>>)
      } else {
      }
      %dma_start3A_202 = arith.constant 0 : i32
      %dma_start3A_203 = arith.constant 0 : i32
      %dma_start3A_204 = tpu.memref_slice %arg19[%dma_start3A_202, %dma_start3A_203] : memref<8x1024xf32, #tpu.memory_space<vmem>> -> memref<8x256xf32, #tpu.memory_space<vmem>>
      %dma_start3A_205 = tpu.memref_slice %arg11[%add3A_196] : memref<1024xi32, #tpu.memory_space<vmem>> -> memref<8xi32, #tpu.memory_space<vmem>>
      %dma_start3A_206 = arith.constant 0 : i32
      %dma_start3A_207 = arith.constant 0 : i32
      %dma_start3A_208 = tpu.memref_slice %arg6[%dma_start3A_206, %dma_start3A_207] : memref<1024x256xf32, #tpu.memory_space<hbm>> -> memref<1024x256xf32, #tpu.memory_space<hbm>>
      tpu.enqueue_indirect_dma source(%dma_start3A_208 : memref<1024x256xf32, #tpu.memory_space<hbm>>) target(%dma_start3A_204 : memref<8x256xf32, #tpu.memory_space<vmem>>) offsets(%dma_start3A_205 : memref<8xi32, #tpu.memory_space<vmem>>) semaphore(%arg27 : memref<!tpu.dma_semaphore, #tpu.memory_space<semaphore_mem>>)
      %dma_start3A_209 = arith.constant 0 : i32
      %dma_start3A_210 = arith.constant 256 : i32
      %dma_start3A_211 = tpu.memref_slice %arg19[%dma_start3A_209, %dma_start3A_210] : memref<8x1024xf32, #tpu.memory_space<vmem>> -> memref<8x256xf32, #tpu.memory_space<vmem>>
      %dma_start3A_212 = tpu.memref_slice %arg12[%add3A_196] : memref<1024xi32, #tpu.memory_space<vmem>> -> memref<8xi32, #tpu.memory_space<vmem>>
      %dma_start3A_213 = arith.constant 0 : i32
      %dma_start3A_214 = arith.constant 0 : i32
      %dma_start3A_215 = tpu.memref_slice %arg7[%dma_start3A_213, %dma_start3A_214] : memref<1024x256xf32, #tpu.memory_space<hbm>> -> memref<1024x256xf32, #tpu.memory_space<hbm>>
      tpu.enqueue_indirect_dma source(%dma_start3A_215 : memref<1024x256xf32, #tpu.memory_space<hbm>>) target(%dma_start3A_211 : memref<8x256xf32, #tpu.memory_space<vmem>>) offsets(%dma_start3A_212 : memref<8xi32, #tpu.memory_space<vmem>>) semaphore(%arg27 : memref<!tpu.dma_semaphore, #tpu.memory_space<semaphore_mem>>)
      %dma_start3A_216 = arith.constant 0 : i32
      %dma_start3A_217 = arith.constant 512 : i32
      %dma_start3A_218 = tpu.memref_slice %arg19[%dma_start3A_216, %dma_start3A_217] : memref<8x1024xf32, #tpu.memory_space<vmem>> -> memref<8x256xf32, #tpu.memory_space<vmem>>
      %dma_start3A_219 = tpu.memref_slice %arg13[%add3A_196] : memref<1024xi32, #tpu.memory_space<vmem>> -> memref<8xi32, #tpu.memory_space<vmem>>
      %dma_start3A_220 = arith.constant 0 : i32
      %dma_start3A_221 = arith.constant 0 : i32
      %dma_start3A_222 = tpu.memref_slice %arg8[%dma_start3A_220, %dma_start3A_221] : memref<1024x256xf32, #tpu.memory_space<hbm>> -> memref<1024x256xf32, #tpu.memory_space<hbm>>
      tpu.enqueue_indirect_dma source(%dma_start3A_222 : memref<1024x256xf32, #tpu.memory_space<hbm>>) target(%dma_start3A_218 : memref<8x256xf32, #tpu.memory_space<vmem>>) offsets(%dma_start3A_219 : memref<8xi32, #tpu.memory_space<vmem>>) semaphore(%arg27 : memref<!tpu.dma_semaphore, #tpu.memory_space<semaphore_mem>>)
      %dma_start3A_223 = arith.constant 0 : i32
      %dma_start3A_224 = arith.constant 768 : i32
      %dma_start3A_225 = tpu.memref_slice %arg19[%dma_start3A_223, %dma_start3A_224] : memref<8x1024xf32, #tpu.memory_space<vmem>> -> memref<8x256xf32, #tpu.memory_space<vmem>>
      %dma_start3A_226 = tpu.memref_slice %arg14[%add3A_196] : memref<1024xi32, #tpu.memory_space<vmem>> -> memref<8xi32, #tpu.memory_space<vmem>>
      %dma_start3A_227 = arith.constant 0 : i32
      %dma_start3A_228 = arith.constant 0 : i32
      %dma_start3A_229 = tpu.memref_slice %arg9[%dma_start3A_227, %dma_start3A_228] : memref<1024x256xf32, #tpu.memory_space<hbm>> -> memref<1024x256xf32, #tpu.memory_space<hbm>>
      tpu.enqueue_indirect_dma source(%dma_start3A_229 : memref<1024x256xf32, #tpu.memory_space<hbm>>) target(%dma_start3A_225 : memref<8x256xf32, #tpu.memory_space<vmem>>) offsets(%dma_start3A_226 : memref<8xi32, #tpu.memory_space<vmem>>) semaphore(%arg27 : memref<!tpu.dma_semaphore, #tpu.memory_space<semaphore_mem>>)
      %add3A_230 = arith.constant 40 : i32
      %add3A_231 = arith.addi %multiple_of3A_57, %add3A_230 : i32
      %gt3A_232 = arith.constant 0 : i32
      %gt3A_233 = arith.cmpi sgt, %scan3A_54, %gt3A_232 : i32
      %convert_element_type3A_234 = arith.extui %gt3A_233 : i1 to i32
      %cond3A_235 = arith.constant 0 : i32
      %cond3A_236 = arith.cmpi ne, %convert_element_type3A_234, %cond3A_235 : i32
      scf.if %cond3A_236 {
        %dma_wait3A_647 = arith.constant 0 : i32
        %dma_wait3A_648 = tpu.memref_slice %arg10[%multiple_of3A, %dma_wait3A_647] : memref<32768x1024xf32, #tpu.memory_space<hbm>> -> memref<8x1024xf32, #tpu.memory_space<hbm>>
        %dma_wait3A_649 = arith.constant 0 : i32
        %dma_wait3A_650 = tpu.memref_slice %arg10[%multiple_of3A, %dma_wait3A_649] : memref<32768x1024xf32, #tpu.memory_space<hbm>> -> memref<8x1024xf32, #tpu.memory_space<hbm>>
        tpu.wait_dma2 semaphore(%arg36 : memref<!tpu.dma_semaphore, #tpu.memory_space<semaphore_mem>>) src(%arg20 : memref<8x1024xf32, #tpu.memory_space<vmem>>) dst(%dma_wait3A_650 : memref<8x1024xf32, #tpu.memory_space<hbm>>)
      } else {
      }
      %dma_start3A_237 = arith.constant 0 : i32
      %dma_start3A_238 = arith.constant 0 : i32
      %dma_start3A_239 = tpu.memref_slice %arg20[%dma_start3A_237, %dma_start3A_238] : memref<8x1024xf32, #tpu.memory_space<vmem>> -> memref<8x256xf32, #tpu.memory_space<vmem>>
      %dma_start3A_240 = tpu.memref_slice %arg11[%add3A_231] : memref<1024xi32, #tpu.memory_space<vmem>> -> memref<8xi32, #tpu.memory_space<vmem>>
      %dma_start3A_241 = arith.constant 0 : i32
      %dma_start3A_242 = arith.constant 0 : i32
      %dma_start3A_243 = tpu.memref_slice %arg6[%dma_start3A_241, %dma_start3A_242] : memref<1024x256xf32, #tpu.memory_space<hbm>> -> memref<1024x256xf32, #tpu.memory_space<hbm>>
      tpu.enqueue_indirect_dma source(%dma_start3A_243 : memref<1024x256xf32, #tpu.memory_space<hbm>>) target(%dma_start3A_239 : memref<8x256xf32, #tpu.memory_space<vmem>>) offsets(%dma_start3A_240 : memref<8xi32, #tpu.memory_space<vmem>>) semaphore(%arg28 : memref<!tpu.dma_semaphore, #tpu.memory_space<semaphore_mem>>)
      %dma_start3A_244 = arith.constant 0 : i32
      %dma_start3A_245 = arith.constant 256 : i32
      %dma_start3A_246 = tpu.memref_slice %arg20[%dma_start3A_244, %dma_start3A_245] : memref<8x1024xf32, #tpu.memory_space<vmem>> -> memref<8x256xf32, #tpu.memory_space<vmem>>
      %dma_start3A_247 = tpu.memref_slice %arg12[%add3A_231] : memref<1024xi32, #tpu.memory_space<vmem>> -> memref<8xi32, #tpu.memory_space<vmem>>
      %dma_start3A_248 = arith.constant 0 : i32
      %dma_start3A_249 = arith.constant 0 : i32
      %dma_start3A_250 = tpu.memref_slice %arg7[%dma_start3A_248, %dma_start3A_249] : memref<1024x256xf32, #tpu.memory_space<hbm>> -> memref<1024x256xf32, #tpu.memory_space<hbm>>
      tpu.enqueue_indirect_dma source(%dma_start3A_250 : memref<1024x256xf32, #tpu.memory_space<hbm>>) target(%dma_start3A_246 : memref<8x256xf32, #tpu.memory_space<vmem>>) offsets(%dma_start3A_247 : memref<8xi32, #tpu.memory_space<vmem>>) semaphore(%arg28 : memref<!tpu.dma_semaphore, #tpu.memory_space<semaphore_mem>>)
      %dma_start3A_251 = arith.constant 0 : i32
      %dma_start3A_252 = arith.constant 512 : i32
      %dma_start3A_253 = tpu.memref_slice %arg20[%dma_start3A_251, %dma_start3A_252] : memref<8x1024xf32, #tpu.memory_space<vmem>> -> memref<8x256xf32, #tpu.memory_space<vmem>>
      %dma_start3A_254 = tpu.memref_slice %arg13[%add3A_231] : memref<1024xi32, #tpu.memory_space<vmem>> -> memref<8xi32, #tpu.memory_space<vmem>>
      %dma_start3A_255 = arith.constant 0 : i32
      %dma_start3A_256 = arith.constant 0 : i32
      %dma_start3A_257 = tpu.memref_slice %arg8[%dma_start3A_255, %dma_start3A_256] : memref<1024x256xf32, #tpu.memory_space<hbm>> -> memref<1024x256xf32, #tpu.memory_space<hbm>>
      tpu.enqueue_indirect_dma source(%dma_start3A_257 : memref<1024x256xf32, #tpu.memory_space<hbm>>) target(%dma_start3A_253 : memref<8x256xf32, #tpu.memory_space<vmem>>) offsets(%dma_start3A_254 : memref<8xi32, #tpu.memory_space<vmem>>) semaphore(%arg28 : memref<!tpu.dma_semaphore, #tpu.memory_space<semaphore_mem>>)
      %dma_start3A_258 = arith.constant 0 : i32
      %dma_start3A_259 = arith.constant 768 : i32
      %dma_start3A_260 = tpu.memref_slice %arg20[%dma_start3A_258, %dma_start3A_259] : memref<8x1024xf32, #tpu.memory_space<vmem>> -> memref<8x256xf32, #tpu.memory_space<vmem>>
      %dma_start3A_261 = tpu.memref_slice %arg14[%add3A_231] : memref<1024xi32, #tpu.memory_space<vmem>> -> memref<8xi32, #tpu.memory_space<vmem>>
      %dma_start3A_262 = arith.constant 0 : i32
      %dma_start3A_263 = arith.constant 0 : i32
      %dma_start3A_264 = tpu.memref_slice %arg9[%dma_start3A_262, %dma_start3A_263] : memref<1024x256xf32, #tpu.memory_space<hbm>> -> memref<1024x256xf32, #tpu.memory_space<hbm>>
      tpu.enqueue_indirect_dma source(%dma_start3A_264 : memref<1024x256xf32, #tpu.memory_space<hbm>>) target(%dma_start3A_260 : memref<8x256xf32, #tpu.memory_space<vmem>>) offsets(%dma_start3A_261 : memref<8xi32, #tpu.memory_space<vmem>>) semaphore(%arg28 : memref<!tpu.dma_semaphore, #tpu.memory_space<semaphore_mem>>)
      %add3A_265 = arith.constant 48 : i32
      %add3A_266 = arith.addi %multiple_of3A_57, %add3A_265 : i32
      %gt3A_267 = arith.constant 0 : i32
      %gt3A_268 = arith.cmpi sgt, %scan3A_54, %gt3A_267 : i32
      %convert_element_type3A_269 = arith.extui %gt3A_268 : i1 to i32
      %cond3A_270 = arith.constant 0 : i32
      %cond3A_271 = arith.cmpi ne, %convert_element_type3A_269, %cond3A_270 : i32
      scf.if %cond3A_271 {
        %dma_wait3A_647 = arith.constant 0 : i32
        %dma_wait3A_648 = tpu.memref_slice %arg10[%multiple_of3A, %dma_wait3A_647] : memref<32768x1024xf32, #tpu.memory_space<hbm>> -> memref<8x1024xf32, #tpu.memory_space<hbm>>
        %dma_wait3A_649 = arith.constant 0 : i32
        %dma_wait3A_650 = tpu.memref_slice %arg10[%multiple_of3A, %dma_wait3A_649] : memref<32768x1024xf32, #tpu.memory_space<hbm>> -> memref<8x1024xf32, #tpu.memory_space<hbm>>
        tpu.wait_dma2 semaphore(%arg37 : memref<!tpu.dma_semaphore, #tpu.memory_space<semaphore_mem>>) src(%arg21 : memref<8x1024xf32, #tpu.memory_space<vmem>>) dst(%dma_wait3A_650 : memref<8x1024xf32, #tpu.memory_space<hbm>>)
      } else {
      }
      %dma_start3A_272 = arith.constant 0 : i32
      %dma_start3A_273 = arith.constant 0 : i32
      %dma_start3A_274 = tpu.memref_slice %arg21[%dma_start3A_272, %dma_start3A_273] : memref<8x1024xf32, #tpu.memory_space<vmem>> -> memref<8x256xf32, #tpu.memory_space<vmem>>
      %dma_start3A_275 = tpu.memref_slice %arg11[%add3A_266] : memref<1024xi32, #tpu.memory_space<vmem>> -> memref<8xi32, #tpu.memory_space<vmem>>
      %dma_start3A_276 = arith.constant 0 : i32
      %dma_start3A_277 = arith.constant 0 : i32
      %dma_start3A_278 = tpu.memref_slice %arg6[%dma_start3A_276, %dma_start3A_277] : memref<1024x256xf32, #tpu.memory_space<hbm>> -> memref<1024x256xf32, #tpu.memory_space<hbm>>
      tpu.enqueue_indirect_dma source(%dma_start3A_278 : memref<1024x256xf32, #tpu.memory_space<hbm>>) target(%dma_start3A_274 : memref<8x256xf32, #tpu.memory_space<vmem>>) offsets(%dma_start3A_275 : memref<8xi32, #tpu.memory_space<vmem>>) semaphore(%arg29 : memref<!tpu.dma_semaphore, #tpu.memory_space<semaphore_mem>>)
      %dma_start3A_279 = arith.constant 0 : i32
      %dma_start3A_280 = arith.constant 256 : i32
      %dma_start3A_281 = tpu.memref_slice %arg21[%dma_start3A_279, %dma_start3A_280] : memref<8x1024xf32, #tpu.memory_space<vmem>> -> memref<8x256xf32, #tpu.memory_space<vmem>>
      %dma_start3A_282 = tpu.memref_slice %arg12[%add3A_266] : memref<1024xi32, #tpu.memory_space<vmem>> -> memref<8xi32, #tpu.memory_space<vmem>>
      %dma_start3A_283 = arith.constant 0 : i32
      %dma_start3A_284 = arith.constant 0 : i32
      %dma_start3A_285 = tpu.memref_slice %arg7[%dma_start3A_283, %dma_start3A_284] : memref<1024x256xf32, #tpu.memory_space<hbm>> -> memref<1024x256xf32, #tpu.memory_space<hbm>>
      tpu.enqueue_indirect_dma source(%dma_start3A_285 : memref<1024x256xf32, #tpu.memory_space<hbm>>) target(%dma_start3A_281 : memref<8x256xf32, #tpu.memory_space<vmem>>) offsets(%dma_start3A_282 : memref<8xi32, #tpu.memory_space<vmem>>) semaphore(%arg29 : memref<!tpu.dma_semaphore, #tpu.memory_space<semaphore_mem>>)
      %dma_start3A_286 = arith.constant 0 : i32
      %dma_start3A_287 = arith.constant 512 : i32
      %dma_start3A_288 = tpu.memref_slice %arg21[%dma_start3A_286, %dma_start3A_287] : memref<8x1024xf32, #tpu.memory_space<vmem>> -> memref<8x256xf32, #tpu.memory_space<vmem>>
      %dma_start3A_289 = tpu.memref_slice %arg13[%add3A_266] : memref<1024xi32, #tpu.memory_space<vmem>> -> memref<8xi32, #tpu.memory_space<vmem>>
      %dma_start3A_290 = arith.constant 0 : i32
      %dma_start3A_291 = arith.constant 0 : i32
      %dma_start3A_292 = tpu.memref_slice %arg8[%dma_start3A_290, %dma_start3A_291] : memref<1024x256xf32, #tpu.memory_space<hbm>> -> memref<1024x256xf32, #tpu.memory_space<hbm>>
      tpu.enqueue_indirect_dma source(%dma_start3A_292 : memref<1024x256xf32, #tpu.memory_space<hbm>>) target(%dma_start3A_288 : memref<8x256xf32, #tpu.memory_space<vmem>>) offsets(%dma_start3A_289 : memref<8xi32, #tpu.memory_space<vmem>>) semaphore(%arg29 : memref<!tpu.dma_semaphore, #tpu.memory_space<semaphore_mem>>)
      %dma_start3A_293 = arith.constant 0 : i32
      %dma_start3A_294 = arith.constant 768 : i32
      %dma_start3A_295 = tpu.memref_slice %arg21[%dma_start3A_293, %dma_start3A_294] : memref<8x1024xf32, #tpu.memory_space<vmem>> -> memref<8x256xf32, #tpu.memory_space<vmem>>
      %dma_start3A_296 = tpu.memref_slice %arg14[%add3A_266] : memref<1024xi32, #tpu.memory_space<vmem>> -> memref<8xi32, #tpu.memory_space<vmem>>
      %dma_start3A_297 = arith.constant 0 : i32
      %dma_start3A_298 = arith.constant 0 : i32
      %dma_start3A_299 = tpu.memref_slice %arg9[%dma_start3A_297, %dma_start3A_298] : memref<1024x256xf32, #tpu.memory_space<hbm>> -> memref<1024x256xf32, #tpu.memory_space<hbm>>
      tpu.enqueue_indirect_dma source(%dma_start3A_299 : memref<1024x256xf32, #tpu.memory_space<hbm>>) target(%dma_start3A_295 : memref<8x256xf32, #tpu.memory_space<vmem>>) offsets(%dma_start3A_296 : memref<8xi32, #tpu.memory_space<vmem>>) semaphore(%arg29 : memref<!tpu.dma_semaphore, #tpu.memory_space<semaphore_mem>>)
      %add3A_300 = arith.constant 56 : i32
      %add3A_301 = arith.addi %multiple_of3A_57, %add3A_300 : i32
      %gt3A_302 = arith.constant 0 : i32
      %gt3A_303 = arith.cmpi sgt, %scan3A_54, %gt3A_302 : i32
      %convert_element_type3A_304 = arith.extui %gt3A_303 : i1 to i32
      %cond3A_305 = arith.constant 0 : i32
      %cond3A_306 = arith.cmpi ne, %convert_element_type3A_304, %cond3A_305 : i32
      scf.if %cond3A_306 {
        %dma_wait3A_647 = arith.constant 0 : i32
        %dma_wait3A_648 = tpu.memref_slice %arg10[%multiple_of3A, %dma_wait3A_647] : memref<32768x1024xf32, #tpu.memory_space<hbm>> -> memref<8x1024xf32, #tpu.memory_space<hbm>>
        %dma_wait3A_649 = arith.constant 0 : i32
        %dma_wait3A_650 = tpu.memref_slice %arg10[%multiple_of3A, %dma_wait3A_649] : memref<32768x1024xf32, #tpu.memory_space<hbm>> -> memref<8x1024xf32, #tpu.memory_space<hbm>>
        tpu.wait_dma2 semaphore(%arg38 : memref<!tpu.dma_semaphore, #tpu.memory_space<semaphore_mem>>) src(%arg22 : memref<8x1024xf32, #tpu.memory_space<vmem>>) dst(%dma_wait3A_650 : memref<8x1024xf32, #tpu.memory_space<hbm>>)
      } else {
      }
      %dma_start3A_307 = arith.constant 0 : i32
      %dma_start3A_308 = arith.constant 0 : i32
      %dma_start3A_309 = tpu.memref_slice %arg22[%dma_start3A_307, %dma_start3A_308] : memref<8x1024xf32, #tpu.memory_space<vmem>> -> memref<8x256xf32, #tpu.memory_space<vmem>>
      %dma_start3A_310 = tpu.memref_slice %arg11[%add3A_301] : memref<1024xi32, #tpu.memory_space<vmem>> -> memref<8xi32, #tpu.memory_space<vmem>>
      %dma_start3A_311 = arith.constant 0 : i32
      %dma_start3A_312 = arith.constant 0 : i32
      %dma_start3A_313 = tpu.memref_slice %arg6[%dma_start3A_311, %dma_start3A_312] : memref<1024x256xf32, #tpu.memory_space<hbm>> -> memref<1024x256xf32, #tpu.memory_space<hbm>>
      tpu.enqueue_indirect_dma source(%dma_start3A_313 : memref<1024x256xf32, #tpu.memory_space<hbm>>) target(%dma_start3A_309 : memref<8x256xf32, #tpu.memory_space<vmem>>) offsets(%dma_start3A_310 : memref<8xi32, #tpu.memory_space<vmem>>) semaphore(%arg30 : memref<!tpu.dma_semaphore, #tpu.memory_space<semaphore_mem>>)
      %dma_start3A_314 = arith.constant 0 : i32
      %dma_start3A_315 = arith.constant 256 : i32
      %dma_start3A_316 = tpu.memref_slice %arg22[%dma_start3A_314, %dma_start3A_315] : memref<8x1024xf32, #tpu.memory_space<vmem>> -> memref<8x256xf32, #tpu.memory_space<vmem>>
      %dma_start3A_317 = tpu.memref_slice %arg12[%add3A_301] : memref<1024xi32, #tpu.memory_space<vmem>> -> memref<8xi32, #tpu.memory_space<vmem>>
      %dma_start3A_318 = arith.constant 0 : i32
      %dma_start3A_319 = arith.constant 0 : i32
      %dma_start3A_320 = tpu.memref_slice %arg7[%dma_start3A_318, %dma_start3A_319] : memref<1024x256xf32, #tpu.memory_space<hbm>> -> memref<1024x256xf32, #tpu.memory_space<hbm>>
      tpu.enqueue_indirect_dma source(%dma_start3A_320 : memref<1024x256xf32, #tpu.memory_space<hbm>>) target(%dma_start3A_316 : memref<8x256xf32, #tpu.memory_space<vmem>>) offsets(%dma_start3A_317 : memref<8xi32, #tpu.memory_space<vmem>>) semaphore(%arg30 : memref<!tpu.dma_semaphore, #tpu.memory_space<semaphore_mem>>)
      %dma_start3A_321 = arith.constant 0 : i32
      %dma_start3A_322 = arith.constant 512 : i32
      %dma_start3A_323 = tpu.memref_slice %arg22[%dma_start3A_321, %dma_start3A_322] : memref<8x1024xf32, #tpu.memory_space<vmem>> -> memref<8x256xf32, #tpu.memory_space<vmem>>
      %dma_start3A_324 = tpu.memref_slice %arg13[%add3A_301] : memref<1024xi32, #tpu.memory_space<vmem>> -> memref<8xi32, #tpu.memory_space<vmem>>
      %dma_start3A_325 = arith.constant 0 : i32
      %dma_start3A_326 = arith.constant 0 : i32
      %dma_start3A_327 = tpu.memref_slice %arg8[%dma_start3A_325, %dma_start3A_326] : memref<1024x256xf32, #tpu.memory_space<hbm>> -> memref<1024x256xf32, #tpu.memory_space<hbm>>
      tpu.enqueue_indirect_dma source(%dma_start3A_327 : memref<1024x256xf32, #tpu.memory_space<hbm>>) target(%dma_start3A_323 : memref<8x256xf32, #tpu.memory_space<vmem>>) offsets(%dma_start3A_324 : memref<8xi32, #tpu.memory_space<vmem>>) semaphore(%arg30 : memref<!tpu.dma_semaphore, #tpu.memory_space<semaphore_mem>>)
      %dma_start3A_328 = arith.constant 0 : i32
      %dma_start3A_329 = arith.constant 768 : i32
      %dma_start3A_330 = tpu.memref_slice %arg22[%dma_start3A_328, %dma_start3A_329] : memref<8x1024xf32, #tpu.memory_space<vmem>> -> memref<8x256xf32, #tpu.memory_space<vmem>>
      %dma_start3A_331 = tpu.memref_slice %arg14[%add3A_301] : memref<1024xi32, #tpu.memory_space<vmem>> -> memref<8xi32, #tpu.memory_space<vmem>>
      %dma_start3A_332 = arith.constant 0 : i32
      %dma_start3A_333 = arith.constant 0 : i32
      %dma_start3A_334 = tpu.memref_slice %arg9[%dma_start3A_332, %dma_start3A_333] : memref<1024x256xf32, #tpu.memory_space<hbm>> -> memref<1024x256xf32, #tpu.memory_space<hbm>>
      tpu.enqueue_indirect_dma source(%dma_start3A_334 : memref<1024x256xf32, #tpu.memory_space<hbm>>) target(%dma_start3A_330 : memref<8x256xf32, #tpu.memory_space<vmem>>) offsets(%dma_start3A_331 : memref<8xi32, #tpu.memory_space<vmem>>) semaphore(%arg30 : memref<!tpu.dma_semaphore, #tpu.memory_space<semaphore_mem>>)
      %add3A_335 = arith.addi %multiple_of3A, %multiple_of3A_57 : i32
      %add3A_336 = arith.constant 0 : i32
      %add3A_337 = arith.addi %add3A_335, %add3A_336 : i32
      %dma_wait3A_338 = arith.constant 0 : i32
      %dma_wait3A_339 = arith.constant 0 : i32
      %dma_wait3A_340 = tpu.memref_slice %arg15[%dma_wait3A_338, %dma_wait3A_339] : memref<8x1024xf32, #tpu.memory_space<vmem>> -> memref<8x256xf32, #tpu.memory_space<vmem>>
      %dma_wait3A_341 = arith.constant 0 : i32
      %dma_wait3A_342 = tpu.memref_slice %arg11[%dma_wait3A_341] : memref<1024xi32, #tpu.memory_space<vmem>> -> memref<8xi32, #tpu.memory_space<vmem>>
      %dma_wait3A_343 = arith.constant 0 : i32
      %dma_wait3A_344 = arith.constant 0 : i32
      %dma_wait3A_345 = tpu.memref_slice %arg6[%dma_wait3A_343, %dma_wait3A_344] : memref<1024x256xf32, #tpu.memory_space<hbm>> -> memref<1024x256xf32, #tpu.memory_space<hbm>>
      tpu.wait_indirect_dma semaphore(%arg23 : memref<!tpu.dma_semaphore, #tpu.memory_space<semaphore_mem>>) src(%dma_wait3A_345 : memref<1024x256xf32, #tpu.memory_space<hbm>>) dst(%dma_wait3A_340 : memref<8x256xf32, #tpu.memory_space<vmem>>)
      %dma_wait3A_346 = arith.constant 0 : i32
      %dma_wait3A_347 = arith.constant 256 : i32
      %dma_wait3A_348 = tpu.memref_slice %arg15[%dma_wait3A_346, %dma_wait3A_347] : memref<8x1024xf32, #tpu.memory_space<vmem>> -> memref<8x256xf32, #tpu.memory_space<vmem>>
      %dma_wait3A_349 = arith.constant 0 : i32
      %dma_wait3A_350 = tpu.memref_slice %arg12[%dma_wait3A_349] : memref<1024xi32, #tpu.memory_space<vmem>> -> memref<8xi32, #tpu.memory_space<vmem>>
      %dma_wait3A_351 = arith.constant 0 : i32
      %dma_wait3A_352 = arith.constant 0 : i32
      %dma_wait3A_353 = tpu.memref_slice %arg7[%dma_wait3A_351, %dma_wait3A_352] : memref<1024x256xf32, #tpu.memory_space<hbm>> -> memref<1024x256xf32, #tpu.memory_space<hbm>>
      tpu.wait_indirect_dma semaphore(%arg23 : memref<!tpu.dma_semaphore, #tpu.memory_space<semaphore_mem>>) src(%dma_wait3A_353 : memref<1024x256xf32, #tpu.memory_space<hbm>>) dst(%dma_wait3A_348 : memref<8x256xf32, #tpu.memory_space<vmem>>)
      %dma_wait3A_354 = arith.constant 0 : i32
      %dma_wait3A_355 = arith.constant 512 : i32
      %dma_wait3A_356 = tpu.memref_slice %arg15[%dma_wait3A_354, %dma_wait3A_355] : memref<8x1024xf32, #tpu.memory_space<vmem>> -> memref<8x256xf32, #tpu.memory_space<vmem>>
      %dma_wait3A_357 = arith.constant 0 : i32
      %dma_wait3A_358 = tpu.memref_slice %arg13[%dma_wait3A_357] : memref<1024xi32, #tpu.memory_space<vmem>> -> memref<8xi32, #tpu.memory_space<vmem>>
      %dma_wait3A_359 = arith.constant 0 : i32
      %dma_wait3A_360 = arith.constant 0 : i32
      %dma_wait3A_361 = tpu.memref_slice %arg8[%dma_wait3A_359, %dma_wait3A_360] : memref<1024x256xf32, #tpu.memory_space<hbm>> -> memref<1024x256xf32, #tpu.memory_space<hbm>>
      tpu.wait_indirect_dma semaphore(%arg23 : memref<!tpu.dma_semaphore, #tpu.memory_space<semaphore_mem>>) src(%dma_wait3A_361 : memref<1024x256xf32, #tpu.memory_space<hbm>>) dst(%dma_wait3A_356 : memref<8x256xf32, #tpu.memory_space<vmem>>)
      %dma_wait3A_362 = arith.constant 0 : i32
      %dma_wait3A_363 = arith.constant 768 : i32
      %dma_wait3A_364 = tpu.memref_slice %arg15[%dma_wait3A_362, %dma_wait3A_363] : memref<8x1024xf32, #tpu.memory_space<vmem>> -> memref<8x256xf32, #tpu.memory_space<vmem>>
      %dma_wait3A_365 = arith.constant 0 : i32
      %dma_wait3A_366 = tpu.memref_slice %arg14[%dma_wait3A_365] : memref<1024xi32, #tpu.memory_space<vmem>> -> memref<8xi32, #tpu.memory_space<vmem>>
      %dma_wait3A_367 = arith.constant 0 : i32
      %dma_wait3A_368 = arith.constant 0 : i32
      %dma_wait3A_369 = tpu.memref_slice %arg9[%dma_wait3A_367, %dma_wait3A_368] : memref<1024x256xf32, #tpu.memory_space<hbm>> -> memref<1024x256xf32, #tpu.memory_space<hbm>>
      tpu.wait_indirect_dma semaphore(%arg23 : memref<!tpu.dma_semaphore, #tpu.memory_space<semaphore_mem>>) src(%dma_wait3A_369 : memref<1024x256xf32, #tpu.memory_space<hbm>>) dst(%dma_wait3A_364 : memref<8x256xf32, #tpu.memory_space<vmem>>)
      %dma_start3A_370 = arith.constant 0 : i32
      %dma_start3A_371 = tpu.memref_slice %arg10[%add3A_337, %dma_start3A_370] : memref<32768x1024xf32, #tpu.memory_space<hbm>> -> memref<8x1024xf32, #tpu.memory_space<hbm>>
      %dma_start3A_372 = arith.constant 0 : i32
      %dma_start3A_373 = tpu.memref_slice %arg10[%add3A_337, %dma_start3A_372] : memref<32768x1024xf32, #tpu.memory_space<hbm>> -> memref<8x1024xf32, #tpu.memory_space<hbm>>
      tpu.enqueue_dma source(%arg15 : memref<8x1024xf32, #tpu.memory_space<vmem>>) target(%dma_start3A_373 : memref<8x1024xf32, #tpu.memory_space<hbm>>) target_semaphore(%arg31 : memref<!tpu.dma_semaphore, #tpu.memory_space<semaphore_mem>>)
      %add3A_374 = arith.addi %multiple_of3A, %multiple_of3A_57 : i32
      %add3A_375 = arith.constant 8 : i32
      %add3A_376 = arith.addi %add3A_374, %add3A_375 : i32
      %dma_wait3A_377 = arith.constant 0 : i32
      %dma_wait3A_378 = arith.constant 0 : i32
      %dma_wait3A_379 = tpu.memref_slice %arg16[%dma_wait3A_377, %dma_wait3A_378] : memref<8x1024xf32, #tpu.memory_space<vmem>> -> memref<8x256xf32, #tpu.memory_space<vmem>>
      %dma_wait3A_380 = arith.constant 0 : i32
      %dma_wait3A_381 = tpu.memref_slice %arg11[%dma_wait3A_380] : memref<1024xi32, #tpu.memory_space<vmem>> -> memref<8xi32, #tpu.memory_space<vmem>>
      %dma_wait3A_382 = arith.constant 0 : i32
      %dma_wait3A_383 = arith.constant 0 : i32
      %dma_wait3A_384 = tpu.memref_slice %arg6[%dma_wait3A_382, %dma_wait3A_383] : memref<1024x256xf32, #tpu.memory_space<hbm>> -> memref<1024x256xf32, #tpu.memory_space<hbm>>
      tpu.wait_indirect_dma semaphore(%arg24 : memref<!tpu.dma_semaphore, #tpu.memory_space<semaphore_mem>>) src(%dma_wait3A_384 : memref<1024x256xf32, #tpu.memory_space<hbm>>) dst(%dma_wait3A_379 : memref<8x256xf32, #tpu.memory_space<vmem>>)
      %dma_wait3A_385 = arith.constant 0 : i32
      %dma_wait3A_386 = arith.constant 256 : i32
      %dma_wait3A_387 = tpu.memref_slice %arg16[%dma_wait3A_385, %dma_wait3A_386] : memref<8x1024xf32, #tpu.memory_space<vmem>> -> memref<8x256xf32, #tpu.memory_space<vmem>>
      %dma_wait3A_388 = arith.constant 0 : i32
      %dma_wait3A_389 = tpu.memref_slice %arg12[%dma_wait3A_388] : memref<1024xi32, #tpu.memory_space<vmem>> -> memref<8xi32, #tpu.memory_space<vmem>>
      %dma_wait3A_390 = arith.constant 0 : i32
      %dma_wait3A_391 = arith.constant 0 : i32
      %dma_wait3A_392 = tpu.memref_slice %arg7[%dma_wait3A_390, %dma_wait3A_391] : memref<1024x256xf32, #tpu.memory_space<hbm>> -> memref<1024x256xf32, #tpu.memory_space<hbm>>
      tpu.wait_indirect_dma semaphore(%arg24 : memref<!tpu.dma_semaphore, #tpu.memory_space<semaphore_mem>>) src(%dma_wait3A_392 : memref<1024x256xf32, #tpu.memory_space<hbm>>) dst(%dma_wait3A_387 : memref<8x256xf32, #tpu.memory_space<vmem>>)
      %dma_wait3A_393 = arith.constant 0 : i32
      %dma_wait3A_394 = arith.constant 512 : i32
      %dma_wait3A_395 = tpu.memref_slice %arg16[%dma_wait3A_393, %dma_wait3A_394] : memref<8x1024xf32, #tpu.memory_space<vmem>> -> memref<8x256xf32, #tpu.memory_space<vmem>>
      %dma_wait3A_396 = arith.constant 0 : i32
      %dma_wait3A_397 = tpu.memref_slice %arg13[%dma_wait3A_396] : memref<1024xi32, #tpu.memory_space<vmem>> -> memref<8xi32, #tpu.memory_space<vmem>>
      %dma_wait3A_398 = arith.constant 0 : i32
      %dma_wait3A_399 = arith.constant 0 : i32
      %dma_wait3A_400 = tpu.memref_slice %arg8[%dma_wait3A_398, %dma_wait3A_399] : memref<1024x256xf32, #tpu.memory_space<hbm>> -> memref<1024x256xf32, #tpu.memory_space<hbm>>
      tpu.wait_indirect_dma semaphore(%arg24 : memref<!tpu.dma_semaphore, #tpu.memory_space<semaphore_mem>>) src(%dma_wait3A_400 : memref<1024x256xf32, #tpu.memory_space<hbm>>) dst(%dma_wait3A_395 : memref<8x256xf32, #tpu.memory_space<vmem>>)
      %dma_wait3A_401 = arith.constant 0 : i32
      %dma_wait3A_402 = arith.constant 768 : i32
      %dma_wait3A_403 = tpu.memref_slice %arg16[%dma_wait3A_401, %dma_wait3A_402] : memref<8x1024xf32, #tpu.memory_space<vmem>> -> memref<8x256xf32, #tpu.memory_space<vmem>>
      %dma_wait3A_404 = arith.constant 0 : i32
      %dma_wait3A_405 = tpu.memref_slice %arg14[%dma_wait3A_404] : memref<1024xi32, #tpu.memory_space<vmem>> -> memref<8xi32, #tpu.memory_space<vmem>>
      %dma_wait3A_406 = arith.constant 0 : i32
      %dma_wait3A_407 = arith.constant 0 : i32
      %dma_wait3A_408 = tpu.memref_slice %arg9[%dma_wait3A_406, %dma_wait3A_407] : memref<1024x256xf32, #tpu.memory_space<hbm>> -> memref<1024x256xf32, #tpu.memory_space<hbm>>
      tpu.wait_indirect_dma semaphore(%arg24 : memref<!tpu.dma_semaphore, #tpu.memory_space<semaphore_mem>>) src(%dma_wait3A_408 : memref<1024x256xf32, #tpu.memory_space<hbm>>) dst(%dma_wait3A_403 : memref<8x256xf32, #tpu.memory_space<vmem>>)
      %dma_start3A_409 = arith.constant 0 : i32
      %dma_start3A_410 = tpu.memref_slice %arg10[%add3A_376, %dma_start3A_409] : memref<32768x1024xf32, #tpu.memory_space<hbm>> -> memref<8x1024xf32, #tpu.memory_space<hbm>>
      %dma_start3A_411 = arith.constant 0 : i32
      %dma_start3A_412 = tpu.memref_slice %arg10[%add3A_376, %dma_start3A_411] : memref<32768x1024xf32, #tpu.memory_space<hbm>> -> memref<8x1024xf32, #tpu.memory_space<hbm>>
      tpu.enqueue_dma source(%arg16 : memref<8x1024xf32, #tpu.memory_space<vmem>>) target(%dma_start3A_412 : memref<8x1024xf32, #tpu.memory_space<hbm>>) target_semaphore(%arg32 : memref<!tpu.dma_semaphore, #tpu.memory_space<semaphore_mem>>)
      %add3A_413 = arith.addi %multiple_of3A, %multiple_of3A_57 : i32
      %add3A_414 = arith.constant 16 : i32
      %add3A_415 = arith.addi %add3A_413, %add3A_414 : i32
      %dma_wait3A_416 = arith.constant 0 : i32
      %dma_wait3A_417 = arith.constant 0 : i32
      %dma_wait3A_418 = tpu.memref_slice %arg17[%dma_wait3A_416, %dma_wait3A_417] : memref<8x1024xf32, #tpu.memory_space<vmem>> -> memref<8x256xf32, #tpu.memory_space<vmem>>
      %dma_wait3A_419 = arith.constant 0 : i32
      %dma_wait3A_420 = tpu.memref_slice %arg11[%dma_wait3A_419] : memref<1024xi32, #tpu.memory_space<vmem>> -> memref<8xi32, #tpu.memory_space<vmem>>
      %dma_wait3A_421 = arith.constant 0 : i32
      %dma_wait3A_422 = arith.constant 0 : i32
      %dma_wait3A_423 = tpu.memref_slice %arg6[%dma_wait3A_421, %dma_wait3A_422] : memref<1024x256xf32, #tpu.memory_space<hbm>> -> memref<1024x256xf32, #tpu.memory_space<hbm>>
      tpu.wait_indirect_dma semaphore(%arg25 : memref<!tpu.dma_semaphore, #tpu.memory_space<semaphore_mem>>) src(%dma_wait3A_423 : memref<1024x256xf32, #tpu.memory_space<hbm>>) dst(%dma_wait3A_418 : memref<8x256xf32, #tpu.memory_space<vmem>>)
      %dma_wait3A_424 = arith.constant 0 : i32
      %dma_wait3A_425 = arith.constant 256 : i32
      %dma_wait3A_426 = tpu.memref_slice %arg17[%dma_wait3A_424, %dma_wait3A_425] : memref<8x1024xf32, #tpu.memory_space<vmem>> -> memref<8x256xf32, #tpu.memory_space<vmem>>
      %dma_wait3A_427 = arith.constant 0 : i32
      %dma_wait3A_428 = tpu.memref_slice %arg12[%dma_wait3A_427] : memref<1024xi32, #tpu.memory_space<vmem>> -> memref<8xi32, #tpu.memory_space<vmem>>
      %dma_wait3A_429 = arith.constant 0 : i32
      %dma_wait3A_430 = arith.constant 0 : i32
      %dma_wait3A_431 = tpu.memref_slice %arg7[%dma_wait3A_429, %dma_wait3A_430] : memref<1024x256xf32, #tpu.memory_space<hbm>> -> memref<1024x256xf32, #tpu.memory_space<hbm>>
      tpu.wait_indirect_dma semaphore(%arg25 : memref<!tpu.dma_semaphore, #tpu.memory_space<semaphore_mem>>) src(%dma_wait3A_431 : memref<1024x256xf32, #tpu.memory_space<hbm>>) dst(%dma_wait3A_426 : memref<8x256xf32, #tpu.memory_space<vmem>>)
      %dma_wait3A_432 = arith.constant 0 : i32
      %dma_wait3A_433 = arith.constant 512 : i32
      %dma_wait3A_434 = tpu.memref_slice %arg17[%dma_wait3A_432, %dma_wait3A_433] : memref<8x1024xf32, #tpu.memory_space<vmem>> -> memref<8x256xf32, #tpu.memory_space<vmem>>
      %dma_wait3A_435 = arith.constant 0 : i32
      %dma_wait3A_436 = tpu.memref_slice %arg13[%dma_wait3A_435] : memref<1024xi32, #tpu.memory_space<vmem>> -> memref<8xi32, #tpu.memory_space<vmem>>
      %dma_wait3A_437 = arith.constant 0 : i32
      %dma_wait3A_438 = arith.constant 0 : i32
      %dma_wait3A_439 = tpu.memref_slice %arg8[%dma_wait3A_437, %dma_wait3A_438] : memref<1024x256xf32, #tpu.memory_space<hbm>> -> memref<1024x256xf32, #tpu.memory_space<hbm>>
      tpu.wait_indirect_dma semaphore(%arg25 : memref<!tpu.dma_semaphore, #tpu.memory_space<semaphore_mem>>) src(%dma_wait3A_439 : memref<1024x256xf32, #tpu.memory_space<hbm>>) dst(%dma_wait3A_434 : memref<8x256xf32, #tpu.memory_space<vmem>>)
      %dma_wait3A_440 = arith.constant 0 : i32
      %dma_wait3A_441 = arith.constant 768 : i32
      %dma_wait3A_442 = tpu.memref_slice %arg17[%dma_wait3A_440, %dma_wait3A_441] : memref<8x1024xf32, #tpu.memory_space<vmem>> -> memref<8x256xf32, #tpu.memory_space<vmem>>
      %dma_wait3A_443 = arith.constant 0 : i32
      %dma_wait3A_444 = tpu.memref_slice %arg14[%dma_wait3A_443] : memref<1024xi32, #tpu.memory_space<vmem>> -> memref<8xi32, #tpu.memory_space<vmem>>
      %dma_wait3A_445 = arith.constant 0 : i32
      %dma_wait3A_446 = arith.constant 0 : i32
      %dma_wait3A_447 = tpu.memref_slice %arg9[%dma_wait3A_445, %dma_wait3A_446] : memref<1024x256xf32, #tpu.memory_space<hbm>> -> memref<1024x256xf32, #tpu.memory_space<hbm>>
      tpu.wait_indirect_dma semaphore(%arg25 : memref<!tpu.dma_semaphore, #tpu.memory_space<semaphore_mem>>) src(%dma_wait3A_447 : memref<1024x256xf32, #tpu.memory_space<hbm>>) dst(%dma_wait3A_442 : memref<8x256xf32, #tpu.memory_space<vmem>>)
      %dma_start3A_448 = arith.constant 0 : i32
      %dma_start3A_449 = tpu.memref_slice %arg10[%add3A_415, %dma_start3A_448] : memref<32768x1024xf32, #tpu.memory_space<hbm>> -> memref<8x1024xf32, #tpu.memory_space<hbm>>
      %dma_start3A_450 = arith.constant 0 : i32
      %dma_start3A_451 = tpu.memref_slice %arg10[%add3A_415, %dma_start3A_450] : memref<32768x1024xf32, #tpu.memory_space<hbm>> -> memref<8x1024xf32, #tpu.memory_space<hbm>>
      tpu.enqueue_dma source(%arg17 : memref<8x1024xf32, #tpu.memory_space<vmem>>) target(%dma_start3A_451 : memref<8x1024xf32, #tpu.memory_space<hbm>>) target_semaphore(%arg33 : memref<!tpu.dma_semaphore, #tpu.memory_space<semaphore_mem>>)
      %add3A_452 = arith.addi %multiple_of3A, %multiple_of3A_57 : i32
      %add3A_453 = arith.constant 24 : i32
      %add3A_454 = arith.addi %add3A_452, %add3A_453 : i32
      %dma_wait3A_455 = arith.constant 0 : i32
      %dma_wait3A_456 = arith.constant 0 : i32
      %dma_wait3A_457 = tpu.memref_slice %arg18[%dma_wait3A_455, %dma_wait3A_456] : memref<8x1024xf32, #tpu.memory_space<vmem>> -> memref<8x256xf32, #tpu.memory_space<vmem>>
      %dma_wait3A_458 = arith.constant 0 : i32
      %dma_wait3A_459 = tpu.memref_slice %arg11[%dma_wait3A_458] : memref<1024xi32, #tpu.memory_space<vmem>> -> memref<8xi32, #tpu.memory_space<vmem>>
      %dma_wait3A_460 = arith.constant 0 : i32
      %dma_wait3A_461 = arith.constant 0 : i32
      %dma_wait3A_462 = tpu.memref_slice %arg6[%dma_wait3A_460, %dma_wait3A_461] : memref<1024x256xf32, #tpu.memory_space<hbm>> -> memref<1024x256xf32, #tpu.memory_space<hbm>>
      tpu.wait_indirect_dma semaphore(%arg26 : memref<!tpu.dma_semaphore, #tpu.memory_space<semaphore_mem>>) src(%dma_wait3A_462 : memref<1024x256xf32, #tpu.memory_space<hbm>>) dst(%dma_wait3A_457 : memref<8x256xf32, #tpu.memory_space<vmem>>)
      %dma_wait3A_463 = arith.constant 0 : i32
      %dma_wait3A_464 = arith.constant 256 : i32
      %dma_wait3A_465 = tpu.memref_slice %arg18[%dma_wait3A_463, %dma_wait3A_464] : memref<8x1024xf32, #tpu.memory_space<vmem>> -> memref<8x256xf32, #tpu.memory_space<vmem>>
      %dma_wait3A_466 = arith.constant 0 : i32
      %dma_wait3A_467 = tpu.memref_slice %arg12[%dma_wait3A_466] : memref<1024xi32, #tpu.memory_space<vmem>> -> memref<8xi32, #tpu.memory_space<vmem>>
      %dma_wait3A_468 = arith.constant 0 : i32
      %dma_wait3A_469 = arith.constant 0 : i32
      %dma_wait3A_470 = tpu.memref_slice %arg7[%dma_wait3A_468, %dma_wait3A_469] : memref<1024x256xf32, #tpu.memory_space<hbm>> -> memref<1024x256xf32, #tpu.memory_space<hbm>>
      tpu.wait_indirect_dma semaphore(%arg26 : memref<!tpu.dma_semaphore, #tpu.memory_space<semaphore_mem>>) src(%dma_wait3A_470 : memref<1024x256xf32, #tpu.memory_space<hbm>>) dst(%dma_wait3A_465 : memref<8x256xf32, #tpu.memory_space<vmem>>)
      %dma_wait3A_471 = arith.constant 0 : i32
      %dma_wait3A_472 = arith.constant 512 : i32
      %dma_wait3A_473 = tpu.memref_slice %arg18[%dma_wait3A_471, %dma_wait3A_472] : memref<8x1024xf32, #tpu.memory_space<vmem>> -> memref<8x256xf32, #tpu.memory_space<vmem>>
      %dma_wait3A_474 = arith.constant 0 : i32
      %dma_wait3A_475 = tpu.memref_slice %arg13[%dma_wait3A_474] : memref<1024xi32, #tpu.memory_space<vmem>> -> memref<8xi32, #tpu.memory_space<vmem>>
      %dma_wait3A_476 = arith.constant 0 : i32
      %dma_wait3A_477 = arith.constant 0 : i32
      %dma_wait3A_478 = tpu.memref_slice %arg8[%dma_wait3A_476, %dma_wait3A_477] : memref<1024x256xf32, #tpu.memory_space<hbm>> -> memref<1024x256xf32, #tpu.memory_space<hbm>>
      tpu.wait_indirect_dma semaphore(%arg26 : memref<!tpu.dma_semaphore, #tpu.memory_space<semaphore_mem>>) src(%dma_wait3A_478 : memref<1024x256xf32, #tpu.memory_space<hbm>>) dst(%dma_wait3A_473 : memref<8x256xf32, #tpu.memory_space<vmem>>)
      %dma_wait3A_479 = arith.constant 0 : i32
      %dma_wait3A_480 = arith.constant 768 : i32
      %dma_wait3A_481 = tpu.memref_slice %arg18[%dma_wait3A_479, %dma_wait3A_480] : memref<8x1024xf32, #tpu.memory_space<vmem>> -> memref<8x256xf32, #tpu.memory_space<vmem>>
      %dma_wait3A_482 = arith.constant 0 : i32
      %dma_wait3A_483 = tpu.memref_slice %arg14[%dma_wait3A_482] : memref<1024xi32, #tpu.memory_space<vmem>> -> memref<8xi32, #tpu.memory_space<vmem>>
      %dma_wait3A_484 = arith.constant 0 : i32
      %dma_wait3A_485 = arith.constant 0 : i32
      %dma_wait3A_486 = tpu.memref_slice %arg9[%dma_wait3A_484, %dma_wait3A_485] : memref<1024x256xf32, #tpu.memory_space<hbm>> -> memref<1024x256xf32, #tpu.memory_space<hbm>>
      tpu.wait_indirect_dma semaphore(%arg26 : memref<!tpu.dma_semaphore, #tpu.memory_space<semaphore_mem>>) src(%dma_wait3A_486 : memref<1024x256xf32, #tpu.memory_space<hbm>>) dst(%dma_wait3A_481 : memref<8x256xf32, #tpu.memory_space<vmem>>)
      %dma_start3A_487 = arith.constant 0 : i32
      %dma_start3A_488 = tpu.memref_slice %arg10[%add3A_454, %dma_start3A_487] : memref<32768x1024xf32, #tpu.memory_space<hbm>> -> memref<8x1024xf32, #tpu.memory_space<hbm>>
      %dma_start3A_489 = arith.constant 0 : i32
      %dma_start3A_490 = tpu.memref_slice %arg10[%add3A_454, %dma_start3A_489] : memref<32768x1024xf32, #tpu.memory_space<hbm>> -> memref<8x1024xf32, #tpu.memory_space<hbm>>
      tpu.enqueue_dma source(%arg18 : memref<8x1024xf32, #tpu.memory_space<vmem>>) target(%dma_start3A_490 : memref<8x1024xf32, #tpu.memory_space<hbm>>) target_semaphore(%arg34 : memref<!tpu.dma_semaphore, #tpu.memory_space<semaphore_mem>>)
      %add3A_491 = arith.addi %multiple_of3A, %multiple_of3A_57 : i32
      %add3A_492 = arith.constant 32 : i32
      %add3A_493 = arith.addi %add3A_491, %add3A_492 : i32
      %dma_wait3A_494 = arith.constant 0 : i32
      %dma_wait3A_495 = arith.constant 0 : i32
      %dma_wait3A_496 = tpu.memref_slice %arg19[%dma_wait3A_494, %dma_wait3A_495] : memref<8x1024xf32, #tpu.memory_space<vmem>> -> memref<8x256xf32, #tpu.memory_space<vmem>>
      %dma_wait3A_497 = arith.constant 0 : i32
      %dma_wait3A_498 = tpu.memref_slice %arg11[%dma_wait3A_497] : memref<1024xi32, #tpu.memory_space<vmem>> -> memref<8xi32, #tpu.memory_space<vmem>>
      %dma_wait3A_499 = arith.constant 0 : i32
      %dma_wait3A_500 = arith.constant 0 : i32
      %dma_wait3A_501 = tpu.memref_slice %arg6[%dma_wait3A_499, %dma_wait3A_500] : memref<1024x256xf32, #tpu.memory_space<hbm>> -> memref<1024x256xf32, #tpu.memory_space<hbm>>
      tpu.wait_indirect_dma semaphore(%arg27 : memref<!tpu.dma_semaphore, #tpu.memory_space<semaphore_mem>>) src(%dma_wait3A_501 : memref<1024x256xf32, #tpu.memory_space<hbm>>) dst(%dma_wait3A_496 : memref<8x256xf32, #tpu.memory_space<vmem>>)
      %dma_wait3A_502 = arith.constant 0 : i32
      %dma_wait3A_503 = arith.constant 256 : i32
      %dma_wait3A_504 = tpu.memref_slice %arg19[%dma_wait3A_502, %dma_wait3A_503] : memref<8x1024xf32, #tpu.memory_space<vmem>> -> memref<8x256xf32, #tpu.memory_space<vmem>>
      %dma_wait3A_505 = arith.constant 0 : i32
      %dma_wait3A_506 = tpu.memref_slice %arg12[%dma_wait3A_505] : memref<1024xi32, #tpu.memory_space<vmem>> -> memref<8xi32, #tpu.memory_space<vmem>>
      %dma_wait3A_507 = arith.constant 0 : i32
      %dma_wait3A_508 = arith.constant 0 : i32
      %dma_wait3A_509 = tpu.memref_slice %arg7[%dma_wait3A_507, %dma_wait3A_508] : memref<1024x256xf32, #tpu.memory_space<hbm>> -> memref<1024x256xf32, #tpu.memory_space<hbm>>
      tpu.wait_indirect_dma semaphore(%arg27 : memref<!tpu.dma_semaphore, #tpu.memory_space<semaphore_mem>>) src(%dma_wait3A_509 : memref<1024x256xf32, #tpu.memory_space<hbm>>) dst(%dma_wait3A_504 : memref<8x256xf32, #tpu.memory_space<vmem>>)
      %dma_wait3A_510 = arith.constant 0 : i32
      %dma_wait3A_511 = arith.constant 512 : i32
      %dma_wait3A_512 = tpu.memref_slice %arg19[%dma_wait3A_510, %dma_wait3A_511] : memref<8x1024xf32, #tpu.memory_space<vmem>> -> memref<8x256xf32, #tpu.memory_space<vmem>>
      %dma_wait3A_513 = arith.constant 0 : i32
      %dma_wait3A_514 = tpu.memref_slice %arg13[%dma_wait3A_513] : memref<1024xi32, #tpu.memory_space<vmem>> -> memref<8xi32, #tpu.memory_space<vmem>>
      %dma_wait3A_515 = arith.constant 0 : i32
      %dma_wait3A_516 = arith.constant 0 : i32
      %dma_wait3A_517 = tpu.memref_slice %arg8[%dma_wait3A_515, %dma_wait3A_516] : memref<1024x256xf32, #tpu.memory_space<hbm>> -> memref<1024x256xf32, #tpu.memory_space<hbm>>
      tpu.wait_indirect_dma semaphore(%arg27 : memref<!tpu.dma_semaphore, #tpu.memory_space<semaphore_mem>>) src(%dma_wait3A_517 : memref<1024x256xf32, #tpu.memory_space<hbm>>) dst(%dma_wait3A_512 : memref<8x256xf32, #tpu.memory_space<vmem>>)
      %dma_wait3A_518 = arith.constant 0 : i32
      %dma_wait3A_519 = arith.constant 768 : i32
      %dma_wait3A_520 = tpu.memref_slice %arg19[%dma_wait3A_518, %dma_wait3A_519] : memref<8x1024xf32, #tpu.memory_space<vmem>> -> memref<8x256xf32, #tpu.memory_space<vmem>>
      %dma_wait3A_521 = arith.constant 0 : i32
      %dma_wait3A_522 = tpu.memref_slice %arg14[%dma_wait3A_521] : memref<1024xi32, #tpu.memory_space<vmem>> -> memref<8xi32, #tpu.memory_space<vmem>>
      %dma_wait3A_523 = arith.constant 0 : i32
      %dma_wait3A_524 = arith.constant 0 : i32
      %dma_wait3A_525 = tpu.memref_slice %arg9[%dma_wait3A_523, %dma_wait3A_524] : memref<1024x256xf32, #tpu.memory_space<hbm>> -> memref<1024x256xf32, #tpu.memory_space<hbm>>
      tpu.wait_indirect_dma semaphore(%arg27 : memref<!tpu.dma_semaphore, #tpu.memory_space<semaphore_mem>>) src(%dma_wait3A_525 : memref<1024x256xf32, #tpu.memory_space<hbm>>) dst(%dma_wait3A_520 : memref<8x256xf32, #tpu.memory_space<vmem>>)
      %dma_start3A_526 = arith.constant 0 : i32
      %dma_start3A_527 = tpu.memref_slice %arg10[%add3A_493, %dma_start3A_526] : memref<32768x1024xf32, #tpu.memory_space<hbm>> -> memref<8x1024xf32, #tpu.memory_space<hbm>>
      %dma_start3A_528 = arith.constant 0 : i32
      %dma_start3A_529 = tpu.memref_slice %arg10[%add3A_493, %dma_start3A_528] : memref<32768x1024xf32, #tpu.memory_space<hbm>> -> memref<8x1024xf32, #tpu.memory_space<hbm>>
      tpu.enqueue_dma source(%arg19 : memref<8x1024xf32, #tpu.memory_space<vmem>>) target(%dma_start3A_529 : memref<8x1024xf32, #tpu.memory_space<hbm>>) target_semaphore(%arg35 : memref<!tpu.dma_semaphore, #tpu.memory_space<semaphore_mem>>)
      %add3A_530 = arith.addi %multiple_of3A, %multiple_of3A_57 : i32
      %add3A_531 = arith.constant 40 : i32
      %add3A_532 = arith.addi %add3A_530, %add3A_531 : i32
      %dma_wait3A_533 = arith.constant 0 : i32
      %dma_wait3A_534 = arith.constant 0 : i32
      %dma_wait3A_535 = tpu.memref_slice %arg20[%dma_wait3A_533, %dma_wait3A_534] : memref<8x1024xf32, #tpu.memory_space<vmem>> -> memref<8x256xf32, #tpu.memory_space<vmem>>
      %dma_wait3A_536 = arith.constant 0 : i32
      %dma_wait3A_537 = tpu.memref_slice %arg11[%dma_wait3A_536] : memref<1024xi32, #tpu.memory_space<vmem>> -> memref<8xi32, #tpu.memory_space<vmem>>
      %dma_wait3A_538 = arith.constant 0 : i32
      %dma_wait3A_539 = arith.constant 0 : i32
      %dma_wait3A_540 = tpu.memref_slice %arg6[%dma_wait3A_538, %dma_wait3A_539] : memref<1024x256xf32, #tpu.memory_space<hbm>> -> memref<1024x256xf32, #tpu.memory_space<hbm>>
      tpu.wait_indirect_dma semaphore(%arg28 : memref<!tpu.dma_semaphore, #tpu.memory_space<semaphore_mem>>) src(%dma_wait3A_540 : memref<1024x256xf32, #tpu.memory_space<hbm>>) dst(%dma_wait3A_535 : memref<8x256xf32, #tpu.memory_space<vmem>>)
      %dma_wait3A_541 = arith.constant 0 : i32
      %dma_wait3A_542 = arith.constant 256 : i32
      %dma_wait3A_543 = tpu.memref_slice %arg20[%dma_wait3A_541, %dma_wait3A_542] : memref<8x1024xf32, #tpu.memory_space<vmem>> -> memref<8x256xf32, #tpu.memory_space<vmem>>
      %dma_wait3A_544 = arith.constant 0 : i32
      %dma_wait3A_545 = tpu.memref_slice %arg12[%dma_wait3A_544] : memref<1024xi32, #tpu.memory_space<vmem>> -> memref<8xi32, #tpu.memory_space<vmem>>
      %dma_wait3A_546 = arith.constant 0 : i32
      %dma_wait3A_547 = arith.constant 0 : i32
      %dma_wait3A_548 = tpu.memref_slice %arg7[%dma_wait3A_546, %dma_wait3A_547] : memref<1024x256xf32, #tpu.memory_space<hbm>> -> memref<1024x256xf32, #tpu.memory_space<hbm>>
      tpu.wait_indirect_dma semaphore(%arg28 : memref<!tpu.dma_semaphore, #tpu.memory_space<semaphore_mem>>) src(%dma_wait3A_548 : memref<1024x256xf32, #tpu.memory_space<hbm>>) dst(%dma_wait3A_543 : memref<8x256xf32, #tpu.memory_space<vmem>>)
      %dma_wait3A_549 = arith.constant 0 : i32
      %dma_wait3A_550 = arith.constant 512 : i32
      %dma_wait3A_551 = tpu.memref_slice %arg20[%dma_wait3A_549, %dma_wait3A_550] : memref<8x1024xf32, #tpu.memory_space<vmem>> -> memref<8x256xf32, #tpu.memory_space<vmem>>
      %dma_wait3A_552 = arith.constant 0 : i32
      %dma_wait3A_553 = tpu.memref_slice %arg13[%dma_wait3A_552] : memref<1024xi32, #tpu.memory_space<vmem>> -> memref<8xi32, #tpu.memory_space<vmem>>
      %dma_wait3A_554 = arith.constant 0 : i32
      %dma_wait3A_555 = arith.constant 0 : i32
      %dma_wait3A_556 = tpu.memref_slice %arg8[%dma_wait3A_554, %dma_wait3A_555] : memref<1024x256xf32, #tpu.memory_space<hbm>> -> memref<1024x256xf32, #tpu.memory_space<hbm>>
      tpu.wait_indirect_dma semaphore(%arg28 : memref<!tpu.dma_semaphore, #tpu.memory_space<semaphore_mem>>) src(%dma_wait3A_556 : memref<1024x256xf32, #tpu.memory_space<hbm>>) dst(%dma_wait3A_551 : memref<8x256xf32, #tpu.memory_space<vmem>>)
      %dma_wait3A_557 = arith.constant 0 : i32
      %dma_wait3A_558 = arith.constant 768 : i32
      %dma_wait3A_559 = tpu.memref_slice %arg20[%dma_wait3A_557, %dma_wait3A_558] : memref<8x1024xf32, #tpu.memory_space<vmem>> -> memref<8x256xf32, #tpu.memory_space<vmem>>
      %dma_wait3A_560 = arith.constant 0 : i32
      %dma_wait3A_561 = tpu.memref_slice %arg14[%dma_wait3A_560] : memref<1024xi32, #tpu.memory_space<vmem>> -> memref<8xi32, #tpu.memory_space<vmem>>
      %dma_wait3A_562 = arith.constant 0 : i32
      %dma_wait3A_563 = arith.constant 0 : i32
      %dma_wait3A_564 = tpu.memref_slice %arg9[%dma_wait3A_562, %dma_wait3A_563] : memref<1024x256xf32, #tpu.memory_space<hbm>> -> memref<1024x256xf32, #tpu.memory_space<hbm>>
      tpu.wait_indirect_dma semaphore(%arg28 : memref<!tpu.dma_semaphore, #tpu.memory_space<semaphore_mem>>) src(%dma_wait3A_564 : memref<1024x256xf32, #tpu.memory_space<hbm>>) dst(%dma_wait3A_559 : memref<8x256xf32, #tpu.memory_space<vmem>>)
      %dma_start3A_565 = arith.constant 0 : i32
      %dma_start3A_566 = tpu.memref_slice %arg10[%add3A_532, %dma_start3A_565] : memref<32768x1024xf32, #tpu.memory_space<hbm>> -> memref<8x1024xf32, #tpu.memory_space<hbm>>
      %dma_start3A_567 = arith.constant 0 : i32
      %dma_start3A_568 = tpu.memref_slice %arg10[%add3A_532, %dma_start3A_567] : memref<32768x1024xf32, #tpu.memory_space<hbm>> -> memref<8x1024xf32, #tpu.memory_space<hbm>>
      tpu.enqueue_dma source(%arg20 : memref<8x1024xf32, #tpu.memory_space<vmem>>) target(%dma_start3A_568 : memref<8x1024xf32, #tpu.memory_space<hbm>>) target_semaphore(%arg36 : memref<!tpu.dma_semaphore, #tpu.memory_space<semaphore_mem>>)
      %add3A_569 = arith.addi %multiple_of3A, %multiple_of3A_57 : i32
      %add3A_570 = arith.constant 48 : i32
      %add3A_571 = arith.addi %add3A_569, %add3A_570 : i32
      %dma_wait3A_572 = arith.constant 0 : i32
      %dma_wait3A_573 = arith.constant 0 : i32
      %dma_wait3A_574 = tpu.memref_slice %arg21[%dma_wait3A_572, %dma_wait3A_573] : memref<8x1024xf32, #tpu.memory_space<vmem>> -> memref<8x256xf32, #tpu.memory_space<vmem>>
      %dma_wait3A_575 = arith.constant 0 : i32
      %dma_wait3A_576 = tpu.memref_slice %arg11[%dma_wait3A_575] : memref<1024xi32, #tpu.memory_space<vmem>> -> memref<8xi32, #tpu.memory_space<vmem>>
      %dma_wait3A_577 = arith.constant 0 : i32
      %dma_wait3A_578 = arith.constant 0 : i32
      %dma_wait3A_579 = tpu.memref_slice %arg6[%dma_wait3A_577, %dma_wait3A_578] : memref<1024x256xf32, #tpu.memory_space<hbm>> -> memref<1024x256xf32, #tpu.memory_space<hbm>>
      tpu.wait_indirect_dma semaphore(%arg29 : memref<!tpu.dma_semaphore, #tpu.memory_space<semaphore_mem>>) src(%dma_wait3A_579 : memref<1024x256xf32, #tpu.memory_space<hbm>>) dst(%dma_wait3A_574 : memref<8x256xf32, #tpu.memory_space<vmem>>)
      %dma_wait3A_580 = arith.constant 0 : i32
      %dma_wait3A_581 = arith.constant 256 : i32
      %dma_wait3A_582 = tpu.memref_slice %arg21[%dma_wait3A_580, %dma_wait3A_581] : memref<8x1024xf32, #tpu.memory_space<vmem>> -> memref<8x256xf32, #tpu.memory_space<vmem>>
      %dma_wait3A_583 = arith.constant 0 : i32
      %dma_wait3A_584 = tpu.memref_slice %arg12[%dma_wait3A_583] : memref<1024xi32, #tpu.memory_space<vmem>> -> memref<8xi32, #tpu.memory_space<vmem>>
      %dma_wait3A_585 = arith.constant 0 : i32
      %dma_wait3A_586 = arith.constant 0 : i32
      %dma_wait3A_587 = tpu.memref_slice %arg7[%dma_wait3A_585, %dma_wait3A_586] : memref<1024x256xf32, #tpu.memory_space<hbm>> -> memref<1024x256xf32, #tpu.memory_space<hbm>>
      tpu.wait_indirect_dma semaphore(%arg29 : memref<!tpu.dma_semaphore, #tpu.memory_space<semaphore_mem>>) src(%dma_wait3A_587 : memref<1024x256xf32, #tpu.memory_space<hbm>>) dst(%dma_wait3A_582 : memref<8x256xf32, #tpu.memory_space<vmem>>)
      %dma_wait3A_588 = arith.constant 0 : i32
      %dma_wait3A_589 = arith.constant 512 : i32
      %dma_wait3A_590 = tpu.memref_slice %arg21[%dma_wait3A_588, %dma_wait3A_589] : memref<8x1024xf32, #tpu.memory_space<vmem>> -> memref<8x256xf32, #tpu.memory_space<vmem>>
      %dma_wait3A_591 = arith.constant 0 : i32
      %dma_wait3A_592 = tpu.memref_slice %arg13[%dma_wait3A_591] : memref<1024xi32, #tpu.memory_space<vmem>> -> memref<8xi32, #tpu.memory_space<vmem>>
      %dma_wait3A_593 = arith.constant 0 : i32
      %dma_wait3A_594 = arith.constant 0 : i32
      %dma_wait3A_595 = tpu.memref_slice %arg8[%dma_wait3A_593, %dma_wait3A_594] : memref<1024x256xf32, #tpu.memory_space<hbm>> -> memref<1024x256xf32, #tpu.memory_space<hbm>>
      tpu.wait_indirect_dma semaphore(%arg29 : memref<!tpu.dma_semaphore, #tpu.memory_space<semaphore_mem>>) src(%dma_wait3A_595 : memref<1024x256xf32, #tpu.memory_space<hbm>>) dst(%dma_wait3A_590 : memref<8x256xf32, #tpu.memory_space<vmem>>)
      %dma_wait3A_596 = arith.constant 0 : i32
      %dma_wait3A_597 = arith.constant 768 : i32
      %dma_wait3A_598 = tpu.memref_slice %arg21[%dma_wait3A_596, %dma_wait3A_597] : memref<8x1024xf32, #tpu.memory_space<vmem>> -> memref<8x256xf32, #tpu.memory_space<vmem>>
      %dma_wait3A_599 = arith.constant 0 : i32
      %dma_wait3A_600 = tpu.memref_slice %arg14[%dma_wait3A_599] : memref<1024xi32, #tpu.memory_space<vmem>> -> memref<8xi32, #tpu.memory_space<vmem>>
      %dma_wait3A_601 = arith.constant 0 : i32
      %dma_wait3A_602 = arith.constant 0 : i32
      %dma_wait3A_603 = tpu.memref_slice %arg9[%dma_wait3A_601, %dma_wait3A_602] : memref<1024x256xf32, #tpu.memory_space<hbm>> -> memref<1024x256xf32, #tpu.memory_space<hbm>>
      tpu.wait_indirect_dma semaphore(%arg29 : memref<!tpu.dma_semaphore, #tpu.memory_space<semaphore_mem>>) src(%dma_wait3A_603 : memref<1024x256xf32, #tpu.memory_space<hbm>>) dst(%dma_wait3A_598 : memref<8x256xf32, #tpu.memory_space<vmem>>)
      %dma_start3A_604 = arith.constant 0 : i32
      %dma_start3A_605 = tpu.memref_slice %arg10[%add3A_571, %dma_start3A_604] : memref<32768x1024xf32, #tpu.memory_space<hbm>> -> memref<8x1024xf32, #tpu.memory_space<hbm>>
      %dma_start3A_606 = arith.constant 0 : i32
      %dma_start3A_607 = tpu.memref_slice %arg10[%add3A_571, %dma_start3A_606] : memref<32768x1024xf32, #tpu.memory_space<hbm>> -> memref<8x1024xf32, #tpu.memory_space<hbm>>
      tpu.enqueue_dma source(%arg21 : memref<8x1024xf32, #tpu.memory_space<vmem>>) target(%dma_start3A_607 : memref<8x1024xf32, #tpu.memory_space<hbm>>) target_semaphore(%arg37 : memref<!tpu.dma_semaphore, #tpu.memory_space<semaphore_mem>>)
      %add3A_608 = arith.addi %multiple_of3A, %multiple_of3A_57 : i32
      %add3A_609 = arith.constant 56 : i32
      %add3A_610 = arith.addi %add3A_608, %add3A_609 : i32
      %dma_wait3A_611 = arith.constant 0 : i32
      %dma_wait3A_612 = arith.constant 0 : i32
      %dma_wait3A_613 = tpu.memref_slice %arg22[%dma_wait3A_611, %dma_wait3A_612] : memref<8x1024xf32, #tpu.memory_space<vmem>> -> memref<8x256xf32, #tpu.memory_space<vmem>>
      %dma_wait3A_614 = arith.constant 0 : i32
      %dma_wait3A_615 = tpu.memref_slice %arg11[%dma_wait3A_614] : memref<1024xi32, #tpu.memory_space<vmem>> -> memref<8xi32, #tpu.memory_space<vmem>>
      %dma_wait3A_616 = arith.constant 0 : i32
      %dma_wait3A_617 = arith.constant 0 : i32
      %dma_wait3A_618 = tpu.memref_slice %arg6[%dma_wait3A_616, %dma_wait3A_617] : memref<1024x256xf32, #tpu.memory_space<hbm>> -> memref<1024x256xf32, #tpu.memory_space<hbm>>
      tpu.wait_indirect_dma semaphore(%arg30 : memref<!tpu.dma_semaphore, #tpu.memory_space<semaphore_mem>>) src(%dma_wait3A_618 : memref<1024x256xf32, #tpu.memory_space<hbm>>) dst(%dma_wait3A_613 : memref<8x256xf32, #tpu.memory_space<vmem>>)
      %dma_wait3A_619 = arith.constant 0 : i32
      %dma_wait3A_620 = arith.constant 256 : i32
      %dma_wait3A_621 = tpu.memref_slice %arg22[%dma_wait3A_619, %dma_wait3A_620] : memref<8x1024xf32, #tpu.memory_space<vmem>> -> memref<8x256xf32, #tpu.memory_space<vmem>>
      %dma_wait3A_622 = arith.constant 0 : i32
      %dma_wait3A_623 = tpu.memref_slice %arg12[%dma_wait3A_622] : memref<1024xi32, #tpu.memory_space<vmem>> -> memref<8xi32, #tpu.memory_space<vmem>>
      %dma_wait3A_624 = arith.constant 0 : i32
      %dma_wait3A_625 = arith.constant 0 : i32
      %dma_wait3A_626 = tpu.memref_slice %arg7[%dma_wait3A_624, %dma_wait3A_625] : memref<1024x256xf32, #tpu.memory_space<hbm>> -> memref<1024x256xf32, #tpu.memory_space<hbm>>
      tpu.wait_indirect_dma semaphore(%arg30 : memref<!tpu.dma_semaphore, #tpu.memory_space<semaphore_mem>>) src(%dma_wait3A_626 : memref<1024x256xf32, #tpu.memory_space<hbm>>) dst(%dma_wait3A_621 : memref<8x256xf32, #tpu.memory_space<vmem>>)
      %dma_wait3A_627 = arith.constant 0 : i32
      %dma_wait3A_628 = arith.constant 512 : i32
      %dma_wait3A_629 = tpu.memref_slice %arg22[%dma_wait3A_627, %dma_wait3A_628] : memref<8x1024xf32, #tpu.memory_space<vmem>> -> memref<8x256xf32, #tpu.memory_space<vmem>>
      %dma_wait3A_630 = arith.constant 0 : i32
      %dma_wait3A_631 = tpu.memref_slice %arg13[%dma_wait3A_630] : memref<1024xi32, #tpu.memory_space<vmem>> -> memref<8xi32, #tpu.memory_space<vmem>>
      %dma_wait3A_632 = arith.constant 0 : i32
      %dma_wait3A_633 = arith.constant 0 : i32
      %dma_wait3A_634 = tpu.memref_slice %arg8[%dma_wait3A_632, %dma_wait3A_633] : memref<1024x256xf32, #tpu.memory_space<hbm>> -> memref<1024x256xf32, #tpu.memory_space<hbm>>
      tpu.wait_indirect_dma semaphore(%arg30 : memref<!tpu.dma_semaphore, #tpu.memory_space<semaphore_mem>>) src(%dma_wait3A_634 : memref<1024x256xf32, #tpu.memory_space<hbm>>) dst(%dma_wait3A_629 : memref<8x256xf32, #tpu.memory_space<vmem>>)
      %dma_wait3A_635 = arith.constant 0 : i32
      %dma_wait3A_636 = arith.constant 768 : i32
      %dma_wait3A_637 = tpu.memref_slice %arg22[%dma_wait3A_635, %dma_wait3A_636] : memref<8x1024xf32, #tpu.memory_space<vmem>> -> memref<8x256xf32, #tpu.memory_space<vmem>>
      %dma_wait3A_638 = arith.constant 0 : i32
      %dma_wait3A_639 = tpu.memref_slice %arg14[%dma_wait3A_638] : memref<1024xi32, #tpu.memory_space<vmem>> -> memref<8xi32, #tpu.memory_space<vmem>>
      %dma_wait3A_640 = arith.constant 0 : i32
      %dma_wait3A_641 = arith.constant 0 : i32
      %dma_wait3A_642 = tpu.memref_slice %arg9[%dma_wait3A_640, %dma_wait3A_641] : memref<1024x256xf32, #tpu.memory_space<hbm>> -> memref<1024x256xf32, #tpu.memory_space<hbm>>
      tpu.wait_indirect_dma semaphore(%arg30 : memref<!tpu.dma_semaphore, #tpu.memory_space<semaphore_mem>>) src(%dma_wait3A_642 : memref<1024x256xf32, #tpu.memory_space<hbm>>) dst(%dma_wait3A_637 : memref<8x256xf32, #tpu.memory_space<vmem>>)
      %dma_start3A_643 = arith.constant 0 : i32
      %dma_start3A_644 = tpu.memref_slice %arg10[%add3A_610, %dma_start3A_643] : memref<32768x1024xf32, #tpu.memory_space<hbm>> -> memref<8x1024xf32, #tpu.memory_space<hbm>>
      %dma_start3A_645 = arith.constant 0 : i32
      %dma_start3A_646 = tpu.memref_slice %arg10[%add3A_610, %dma_start3A_645] : memref<32768x1024xf32, #tpu.memory_space<hbm>> -> memref<8x1024xf32, #tpu.memory_space<hbm>>
      tpu.enqueue_dma source(%arg22 : memref<8x1024xf32, #tpu.memory_space<vmem>>) target(%dma_start3A_646 : memref<8x1024xf32, #tpu.memory_space<hbm>>) target_semaphore(%arg38 : memref<!tpu.dma_semaphore, #tpu.memory_space<semaphore_mem>>)
    }
    %scan3A_21 = arith.constant 16 : i32
    %dma_wait3A_22 = arith.constant 0 : i32
    %dma_wait3A_23 = tpu.memref_slice %arg10[%multiple_of3A, %dma_wait3A_22] : memref<32768x1024xf32, #tpu.memory_space<hbm>> -> memref<8x1024xf32, #tpu.memory_space<hbm>>
    %dma_wait3A_24 = arith.constant 0 : i32
    %dma_wait3A_25 = tpu.memref_slice %arg10[%multiple_of3A, %dma_wait3A_24] : memref<32768x1024xf32, #tpu.memory_space<hbm>> -> memref<8x1024xf32, #tpu.memory_space<hbm>>
    tpu.wait_dma2 semaphore(%arg31 : memref<!tpu.dma_semaphore, #tpu.memory_space<semaphore_mem>>) src(%arg15 : memref<8x1024xf32, #tpu.memory_space<vmem>>) dst(%dma_wait3A_25 : memref<8x1024xf32, #tpu.memory_space<hbm>>)
    %dma_wait3A_26 = arith.constant 0 : i32
    %dma_wait3A_27 = tpu.memref_slice %arg10[%multiple_of3A, %dma_wait3A_26] : memref<32768x1024xf32, #tpu.memory_space<hbm>> -> memref<8x1024xf32, #tpu.memory_space<hbm>>
    %dma_wait3A_28 = arith.constant 0 : i32
    %dma_wait3A_29 = tpu.memref_slice %arg10[%multiple_of3A, %dma_wait3A_28] : memref<32768x1024xf32, #tpu.memory_space<hbm>> -> memref<8x1024xf32, #tpu.memory_space<hbm>>
    tpu.wait_dma2 semaphore(%arg32 : memref<!tpu.dma_semaphore, #tpu.memory_space<semaphore_mem>>) src(%arg16 : memref<8x1024xf32, #tpu.memory_space<vmem>>) dst(%dma_wait3A_29 : memref<8x1024xf32, #tpu.memory_space<hbm>>)
    %dma_wait3A_30 = arith.constant 0 : i32
    %dma_wait3A_31 = tpu.memref_slice %arg10[%multiple_of3A, %dma_wait3A_30] : memref<32768x1024xf32, #tpu.memory_space<hbm>> -> memref<8x1024xf32, #tpu.memory_space<hbm>>
    %dma_wait3A_32 = arith.constant 0 : i32
    %dma_wait3A_33 = tpu.memref_slice %arg10[%multiple_of3A, %dma_wait3A_32] : memref<32768x1024xf32, #tpu.memory_space<hbm>> -> memref<8x1024xf32, #tpu.memory_space<hbm>>
    tpu.wait_dma2 semaphore(%arg33 : memref<!tpu.dma_semaphore, #tpu.memory_space<semaphore_mem>>) src(%arg17 : memref<8x1024xf32, #tpu.memory_space<vmem>>) dst(%dma_wait3A_33 : memref<8x1024xf32, #tpu.memory_space<hbm>>)
    %dma_wait3A_34 = arith.constant 0 : i32
    %dma_wait3A_35 = tpu.memref_slice %arg10[%multiple_of3A, %dma_wait3A_34] : memref<32768x1024xf32, #tpu.memory_space<hbm>> -> memref<8x1024xf32, #tpu.memory_space<hbm>>
    %dma_wait3A_36 = arith.constant 0 : i32
    %dma_wait3A_37 = tpu.memref_slice %arg10[%multiple_of3A, %dma_wait3A_36] : memref<32768x1024xf32, #tpu.memory_space<hbm>> -> memref<8x1024xf32, #tpu.memory_space<hbm>>
    tpu.wait_dma2 semaphore(%arg34 : memref<!tpu.dma_semaphore, #tpu.memory_space<semaphore_mem>>) src(%arg18 : memref<8x1024xf32, #tpu.memory_space<vmem>>) dst(%dma_wait3A_37 : memref<8x1024xf32, #tpu.memory_space<hbm>>)
    %dma_wait3A_38 = arith.constant 0 : i32
    %dma_wait3A_39 = tpu.memref_slice %arg10[%multiple_of3A, %dma_wait3A_38] : memref<32768x1024xf32, #tpu.memory_space<hbm>> -> memref<8x1024xf32, #tpu.memory_space<hbm>>
    %dma_wait3A_40 = arith.constant 0 : i32
    %dma_wait3A_41 = tpu.memref_slice %arg10[%multiple_of3A, %dma_wait3A_40] : memref<32768x1024xf32, #tpu.memory_space<hbm>> -> memref<8x1024xf32, #tpu.memory_space<hbm>>
    tpu.wait_dma2 semaphore(%arg35 : memref<!tpu.dma_semaphore, #tpu.memory_space<semaphore_mem>>) src(%arg19 : memref<8x1024xf32, #tpu.memory_space<vmem>>) dst(%dma_wait3A_41 : memref<8x1024xf32, #tpu.memory_space<hbm>>)
    %dma_wait3A_42 = arith.constant 0 : i32
    %dma_wait3A_43 = tpu.memref_slice %arg10[%multiple_of3A, %dma_wait3A_42] : memref<32768x1024xf32, #tpu.memory_space<hbm>> -> memref<8x1024xf32, #tpu.memory_space<hbm>>
    %dma_wait3A_44 = arith.constant 0 : i32
    %dma_wait3A_45 = tpu.memref_slice %arg10[%multiple_of3A, %dma_wait3A_44] : memref<32768x1024xf32, #tpu.memory_space<hbm>> -> memref<8x1024xf32, #tpu.memory_space<hbm>>
    tpu.wait_dma2 semaphore(%arg36 : memref<!tpu.dma_semaphore, #tpu.memory_space<semaphore_mem>>) src(%arg20 : memref<8x1024xf32, #tpu.memory_space<vmem>>) dst(%dma_wait3A_45 : memref<8x1024xf32, #tpu.memory_space<hbm>>)
    %dma_wait3A_46 = arith.constant 0 : i32
    %dma_wait3A_47 = tpu.memref_slice %arg10[%multiple_of3A, %dma_wait3A_46] : memref<32768x1024xf32, #tpu.memory_space<hbm>> -> memref<8x1024xf32, #tpu.memory_space<hbm>>
    %dma_wait3A_48 = arith.constant 0 : i32
    %dma_wait3A_49 = tpu.memref_slice %arg10[%multiple_of3A, %dma_wait3A_48] : memref<32768x1024xf32, #tpu.memory_space<hbm>> -> memref<8x1024xf32, #tpu.memory_space<hbm>>
    tpu.wait_dma2 semaphore(%arg37 : memref<!tpu.dma_semaphore, #tpu.memory_space<semaphore_mem>>) src(%arg21 : memref<8x1024xf32, #tpu.memory_space<vmem>>) dst(%dma_wait3A_49 : memref<8x1024xf32, #tpu.memory_space<hbm>>)
    %dma_wait3A_50 = arith.constant 0 : i32
    %dma_wait3A_51 = tpu.memref_slice %arg10[%multiple_of3A, %dma_wait3A_50] : memref<32768x1024xf32, #tpu.memory_space<hbm>> -> memref<8x1024xf32, #tpu.memory_space<hbm>>
    %dma_wait3A_52 = arith.constant 0 : i32
    %dma_wait3A_53 = tpu.memref_slice %arg10[%multiple_of3A, %dma_wait3A_52] : memref<32768x1024xf32, #tpu.memory_space<hbm>> -> memref<8x1024xf32, #tpu.memory_space<hbm>>
    tpu.wait_dma2 semaphore(%arg38 : memref<!tpu.dma_semaphore, #tpu.memory_space<semaphore_mem>>) src(%arg22 : memref<8x1024xf32, #tpu.memory_space<vmem>>) dst(%dma_wait3A_53 : memref<8x1024xf32, #tpu.memory_space<hbm>>)
    return
  }
}

</mosaic_0001>

<sc_bundles>
// kernel: kernel.3.cloned.1.call-start
scs
__scs_entry_jumppad:
0x0: {  	(pc) =	sbr.rel $0x88, $3  }
0x1: {  	(tag) =	ssettag $0x0;
	lr =	simm.s32 $0x1  }
0x2: {  	[smem:$0x3F9C] =	sst lr;
	_ =	strace $0xD0000000  }
0x3: {  	_ = 	snop  }
0x4: {  	_ = 	snop  }
0x5: {  	_ = 	snop  }
0x6: {  	_ = 	snop  }
0x7: {  	_ = 	snop  }
__scs_overlays_trampoline_lowered:
0x8: {  	[smem:$0x3FAB] =	sst s0  }
0x9: {  	[smem:$0x3FAC] =	sst s1  }
0xa: {  	[smem:$0x3FAD] =	sst s2  }
0xb: {  	[smem:$0x3FAE] =	sst s3  }
0xc: {  	[smem:$0x3FAF] =	sst s4  }
0xd: {  	[smem:$0x3FB0] =	sst s5  }
0xe: {  	[smem:$0x3FB1] =	sst s6  }
0xf: {  	[smem:$0x3FB2] =	sst s7  }
0x10: {  	[smem:$0x3FB3] =	sst s8  }
0x11: {  	[smem:$0x3FB4] =	sst s9;
	s0 =	simm.s32 @!p0 $0x0  }
0x12: {  	s1 =	sld [smem:$0x3F9A];
	s0 =	simm.s32 @p0 $0x1  }
0x13: {  	[smem:$0x3FB5] =	sst s0;
	s0 =	simm.s32 @!p1 $0x0  }
0x14: {  	s2 =	sld [smem:$0x3F99];
	s0 =	simm.s32 @p1 $0x1  }
0x15: {  	[smem:$0x3FB6] =	sst s0;
	s0 =	simm.s32 @!p2 $0x0  }
0x16: {  	s3 =	sld [smem:$0x3FDB];
	s0 =	simm.s32 @p2 $0x1  }
0x17: {  	s4 =	simm.s32 $0x1BF5;
	[smem:$0x3FB8] =	sst s0  }
0x18: {  	s0 =	sld [smem:$0x3F9B];
	_ =	swait.ge [sflag:s4], $0x0  }
0x19: {  	s7 =	sld [smem:$0x3F9C]  }
0x1a: {  	s8 =	sadd.s32 $0xFFFFE003, lr  }
0x1b: {  	s9 =	sadd.s32 $0xFFFFFEF7, lr;
	s5 =	simm.s32 $0xFFFFFFFF;
	p2 =	slt.u32 s8, $0xFFFFF086  }
0x1c: {  	p1 =	slt.u32 s9, $0xF7A;
	s5 =	simm.s32 @!p2 $0x0  }
0x1d: {  	s5 =	simm.s32 @p1 $0x1;
	p0 =	seq.s32 s7, s2  }
0x1e: {  	s7 =	smul.u32 @!p0 $0xF7A, s2;
	p2 =	seq.s32 @!p0 s5, $0x0  }
0x1f: {  	s9 =	smul.u32 $0xF7A, s1;
	s8 =	simm.s32 @!p0 $0x1BF5;
	p2 =	por !p2, p0  }
0x20: {  	[sflag:s8] =	ssyncset.s32 @!p0 $0xFFFFF086;
	s6 =	sadd.s32 @!p0 s3, s7;
	s7 =	simm.s32 @!p0 $0x108  }
0x21: {  	s3 =	sadd.s32 s3, s9;
	s6 =	sadd.s32 @!p0 $0x88, s6;
	s7 =	simm.s32 @p2 $0x1082  }
0x22: {  	[simem:s7], [sflag:s8] =	dma.local @!p0 [hbm:s6], $0xF7A  }
0x23: {  	s9 =	sor.u32 $0xD0000000, s2;
	s6 =	simm.s32 $0x108;
	_ =	swait.ge @!p0 [sflag:s8], $0x0  }
0x24: {  	s3 =	sadd.s32 $0x88, s3;
	s6 =	simm.s32 @!p1 $0x1082;
	[sflag:s4] =	ssyncset.s32 $0xFFFFF086  }
0x25: {  	[simem:s6], [sflag:s4] =	dma.local [hbm:s3], $0xF7A  }
0x26: {  	[smem:$0x3F9C] =	sst s1;
	(tag) =	ssettag s2;
	_ =	strace s9  }
0x27: {  	s1 =	sld [smem:$0x3FAC]  }
0x28: {  	s2 =	sld [smem:$0x3FAD]  }
0x29: {  	s4 =	sld [smem:$0x3FAF]  }
0x2a: {  	p0 =	seq.s32 s5, $0x0;
	s5 =	sld [smem:$0x3FB0]  }
0x2b: {  	s6 =	sld [smem:$0x3FB1]  }
0x2c: {  	s7 =	sld [smem:$0x3FB2]  }
0x2d: {  	s3 =	simm.s32 $0x108;
	s8 =	sld [smem:$0x3FB3]  }
0x2e: {  	s3 =	simm.s32 @!p0 $0x1082;
	s9 =	sld [smem:$0x3FB4]  }
0x2f: {  	lr =	sadd.s32 s0, s3;
	s0 =	sld [smem:$0x3FAB]  }
0x30: {  	s3 =	sld [smem:$0x3FAE]  }
0x31: {  	[smem:$0x3FB7] =	sst s10  }
0x32: {  	s10 =	sld [smem:$0x3FB5];
	_ =	sdelay $0x3  }
0x33: {  	p0 =	seq.s32 s10, $0x1;
	s10 =	sld [smem:$0x3FB7];
	_ =	sdelay $0x3  }
0x34: {  	[smem:$0x3FB7] =	sst s10  }
0x35: {  	s10 =	sld [smem:$0x3FB6];
	_ =	sdelay $0x3  }
0x36: {  	p1 =	seq.s32 s10, $0x1;
	s10 =	sld [smem:$0x3FB7];
	_ =	sdelay $0x3  }
0x37: {  	[smem:$0x3FB7] =	sst s10  }
0x38: {  	s10 =	sld [smem:$0x3FB8]  }
0x39: {  	_ = 	snop;
	(pc) =	sbr.ind lr, $3  }
0x3a: {  	_ = 	snop  }
0x3b: {  	_ = 	snop  }
0x3c: {  	p2 =	seq.s32 s10, $0x1;
	s10 =	sld [smem:$0x3FB7]  }
0x3d: {  	_ =	shalt  }
0x3e: {  	_ =	shalt  }
0x3f: {  	_ =	shalt  }
0x40: {  	_ =	shalt  }
0x41: {  	_ =	shalt  }
0x42: {  	_ =	shalt  }
0x43: {  	_ =	shalt  }
0x44: {  	_ =	shalt  }
0x45: {  	_ =	shalt  }
0x46: {  	_ =	shalt  }
0x47: {  	_ =	shalt  }
0x48: {  	_ =	shalt  }
0x49: {  	_ =	shalt  }
0x4a: {  	_ =	shalt  }
0x4b: {  	_ =	shalt  }
0x4c: {  	_ =	shalt  }
0x4d: {  	_ =	shalt  }
0x4e: {  	_ =	shalt  }
0x4f: {  	_ =	shalt  }
0x50: {  	_ =	shalt  }
0x51: {  	_ =	shalt  }
0x52: {  	_ =	shalt  }
0x53: {  	_ =	shalt  }
0x54: {  	_ =	shalt  }
0x55: {  	_ =	shalt  }
0x56: {  	_ =	shalt  }
0x57: {  	_ =	shalt  }
0x58: {  	_ =	shalt  }
0x59: {  	_ =	shalt  }
0x5a: {  	_ =	shalt  }
0x5b: {  	_ =	shalt  }
0x5c: {  	_ =	shalt  }
0x5d: {  	_ =	shalt  }
0x5e: {  	_ =	shalt  }
0x5f: {  	_ =	shalt  }
0x60: {  	_ =	shalt  }
0x61: {  	_ =	shalt  }
0x62: {  	_ =	shalt  }
0x63: {  	_ =	shalt  }
0x64: {  	_ =	shalt  }
0x65: {  	_ =	shalt  }
0x66: {  	_ =	shalt  }
0x67: {  	_ =	shalt  }
0x68: {  	_ =	shalt  }
0x69: {  	_ =	shalt  }
0x6a: {  	_ =	shalt  }
0x6b: {  	_ =	shalt  }
0x6c: {  	_ =	shalt  }
0x6d: {  	_ =	shalt  }
0x6e: {  	_ =	shalt  }
0x6f: {  	_ =	shalt  }
0x70: {  	_ =	shalt  }
0x71: {  	_ =	shalt  }
0x72: {  	_ =	shalt  }
0x73: {  	_ =	shalt  }
0x74: {  	_ =	shalt  }
0x75: {  	_ =	shalt  }
0x76: {  	_ =	shalt  }
0x77: {  	_ =	shalt  }
0x78: {  	_ =	shalt  }
0x79: {  	_ =	shalt  }
0x7a: {  	_ =	shalt  }
0x7b: {  	_ =	shalt  }
0x7c: {  	_ =	shalt  }
0x7d: {  	_ =	shalt  }
0x7e: {  	_ =	shalt  }
0x7f: {  	_ =	shalt  }
0x80: {  	_ =	shalt  }
0x81: {  	_ =	shalt  }
0x82: {  	_ =	shalt  }
0x83: {  	_ =	shalt  }
0x84: {  	_ =	shalt  }
0x85: {  	_ =	shalt  }
0x86: {  	_ =	shalt  }
0x87: {  	_ =	shalt  }
.Lfunc_end0:
.L_simem_size_0:
called_computation_lowered:
.L_overlay_start_0:
0x88: {  	s2 =	sld [smem:$0x3FD9]  }
0x89: {  	s3 =	sld [smem:$0x3FFE];
	_ =	sdelay $0x1  }
0x8a: {  	s1 =	srdreg.scid  }
0x8b: {  	s0 =	sand.u32 $0x1, s1  }
0x8c: {  	s17 =	sshll.u32 s0, $0xA;
	s2 =	sadd.s32 s3, s2  }
0x8d: {  	s2 =	sadd.s32 s2, s17  }
0x8e: {  	[smem:$0x3FC3] =	sst s2  }
0x8f: {  	_ = 	snop  }
0x90: {  	s2 =	sld [smem:$0x3FC8]  }
0x91: {  	s18 =	sld [smem:$0x3FC7]  }
0x92: {  	s4 =	sld [smem:$0x3FC6]  }
0x93: {  	s5 =	sld [smem:$0x3FC5]  }
0x94: {  	s6 =	sld [smem:$0x3FD0];
	(tm) =	ssettm $0x1  }
0x95: {  	s7 =	sld [smem:$0x3FFB];
	_ =	sdelay $0x3  }
0x96: {  	_ =	strace s7  }
0x97: {  	s7 =	sld [smem:$0x3FFC];
	_ =	sdelay $0x3  }
0x98: {  	_ =	strace s7  }
0x99: {  	s7 =	sld [smem:$0x3FFD];
	_ =	sdelay $0x3  }
0x9a: {  	_ =	strace s7  }
0x9b: {  	_ =	strace $0x8FFFFFFF  }
0x9c: {  	s19 =	sld [smem:$0x3FDB];
	_ =	sdelay $0x1  }
0x9d: {  	s8 =	simm.s32 $_scs_section_size  }
0x9e: {  	s9 =	simm.s32 $_size__tile_overlayer_lowered;
	s10 =	simm.s32 $_tile_overlayer_lowered  }
0x9f: {  	s22 =	simm.s32 $0x1BFF;
	s21 =	sshll.u32 s10, $0x1;
	s7 =	sadd.s32 s8, s19  }
0xa0: {  	s11 =	simm.s32 $0x0;
	s20 =	sshll.u32 s9, $0x1;
	s9 =	sadd.s32 s21, s7  }
0xa1: {  	[timem:s11], [sflag:s22] =	dma.local [hbm:s9], s20  }
0xa2: {  	_ =	swait.ge [sflag:s22], s20  }
0xa3: {  	s8 =	ssub.s32 $0x0, s20;
	[sflag:s22] =	ssyncset.done $0x0  }
0xa4: {  	[sflag:s22] =	ssyncadd.s32 s8;
	_ =	sdelay $0x1  }
0xa5: {  	s23 =	simm.s32 $0x1B8B  }
0xa6: {  	_ =	swait.ge [sflag:s23], $0x1  }
0xa7: {  	[sflag:s23] =	ssyncset.done $0x0  }
0xa8: {  	s25 =	simm.s32 $0x1B8E;
	s24 =	sld [smem:$0x3FFE];
	[sflag:s23] =	ssyncadd.s32 $0xFFFFFFFF  }
0xa9: {  	s26 =	simm.s32 $execute0_lowered;
	[smem:$0x3FD2] =	sst s25  }
0xaa: {  	s9 =	sshll.u32 s26, $0x1;
	_ =	strace $0x80000046;
	[dreg:$0x1] =	wrdreg $0xFFFFFFFF  }
0xab: {  	s28 =	simm.s32 $_size_execute0_lowered;
	s7 =	sadd.s32 s7, s9;
	[dreg:$0x0] =	wrdreg $0x0  }
0xac: {  	s9 =	sshll.u32 s28, $0x1;
	[dreg:$0x2] =	wrdreg s7  }
0xad: {  	[dreg:$0x3] =	wrdreg s9  }
0xae: {  	[dreg:$0x4] =	wrdreg $0xC0  }
0xaf: {  	_ =	task [dreg:s11], $0x5FFFF  }
0xb0: {  	[dreg:$0x1] =	wrdreg $0xFFFFFFFF  }
0xb1: {  	[dreg:$0x0] =	wrdreg $0x60  }
0xb2: {  	[dreg:$0x2] =	wrdreg s24  }
0xb3: {  	[dreg:$0x3] =	wrdreg s2  }
0xb4: {  	[dreg:$0x4] =	wrdreg s18  }
0xb5: {  	[dreg:$0x5] =	wrdreg s4  }
0xb6: {  	[dreg:$0x6] =	wrdreg s5  }
0xb7: {  	[dreg:$0x7] =	wrdreg s6  }
0xb8: {  	[dreg:$0x8] =	wrdreg $0x9  }
0xb9: {  	_ =	task.clear_ibuf [dreg:s11], $0x9FFFF;
	_ =	strace $0x90000046  }
0xba: {  	s29 =	simm.s32 $0x9;
	_ =	strace $0x80000048  }
0xbb: {  	_ =	swait.ge [sflag:s29], $0x1  }
0xbc: {  	[sflag:s29] =	ssyncadd.s32 $0xFFFFFFFF  }
0xbd: {  	_ =	strace $0x90000048  }
0xbe: {  	_ =	sfence  }
0xbf: {  	s30 =	sld [smem:$0x0];
	_ =	sdelay $0x2  }
0xc0: {  	s31 =	sshll.u32 s1, $0xD;
	s1 =	sshrl.u32 s1, $0x2  }
0xc1: {  	s3 =	sand.u32 $0x4000, s31;
	s1 =	sadd.s32 s1, s30  }
0xc2: {  	s0 =	sor.u32 s3, s0;
	s1 =	sshll.u32 s1, $0x11  }
0xc3: {  	s0 =	sor.u32 s1, s0  }
0xc4: {  	s0 =	sadd.s32 $0x8F2B, s0  }
0xc5: {  	[sflag:s0] =	ssyncadd.remote.s32 $0x1  }
0xc6: {  	_ =	sfence.sel $0xFFFF  }
0xc7: {  	[dreg:$0x0] =	wrdreg $0xFFFFFFFF;
	(pc) =	sbr.abs _section_cstart, $3  }
0xc8: {  	[dreg:$0x1] =	wrdreg $0xFFFFFFFF  }
0xc9: {  	_ =	task.clear_ibuf [dreg:s11], $0x2FFFF;
	_ =	strace $0x9FFFFFFF  }
0xca: {  	(tm) =	ssettm $0x7FFFFFFF  }
0xcb: {  	_ =	shalt  }
tec
execute0_lowered:
.L_overlay_start_1:
0x0: {  	(tag) =	ssettag $0x1  }
0x1: {  	s0 =	rddreg [dreg:$0x0]  }
0x2: {  	s1 =	rddreg [dreg:$0x1]  }
0x3: {  	s2 =	rddreg [dreg:$0x2]  }
0x4: {  	s3 =	rddreg [dreg:$0x3]  }
0x5: {  	s5 =	rddreg [dreg:$0x4]  }
0x6: {  	s4 =	rddreg [dreg:$0x5]  }
0x7: {  	s7 =	srdreg.scid;
	s9 =	stileid.u32;
	s6 =	simm.s32 $0x0  }
0x8: {  	s15 =	simm.s32 $0x1800;
	s17 =	simm.s32 $0x2000;
	[smem:$0x7FF] =	sst s6  }
0x9: {  	s18 =	simm.s32 $0x2800;
	_ =	strace $0x80000047;
	[dreg:$0x8] =	wrdreg s15  }
0xa: {  	s19 =	simm.s32 $0x3800;
	s20 =	simm.s32 $0x4000;
	[dreg:$0x9] =	wrdreg s17  }
0xb: {  	s21 =	simm.s32 $0x4800;
	s23 =	simm.s32 $0x5800;
	[dreg:$0xa] =	wrdreg s18  }
0xc: {  	s24 =	simm.s32 $0x6000;
	s26 =	simm.s32 $0x6800;
	[dreg:$0xb] =	wrdreg s19  }
0xd: {  	s10 =	simm.s32 $0x7800;
	s12 =	simm.s32 $0x8000;
	[dreg:$0xc] =	wrdreg s20  }
0xe: {  	s28 =	simm.s32 $0x5;
	s29 =	simm.s32 $0x6;
	[dreg:$0xd] =	wrdreg s21  }
0xf: {  	s30 =	simm.s32 $0x7;
	s31 =	simm.s32 $0x8;
	[dreg:$0xe] =	wrdreg s23  }
0x10: {  	s7 =	sand.u32 $0x1, s7;
	s8 =	sshll.u32 s9, $0x12;
	[dreg:$0xf] =	wrdreg s24  }
0x11: {  	s14 =	sshll.u32 s9, $0xB;
	s4 =	sadd.s32 s8, s4;
	[dreg:$0x10] =	wrdreg s26  }
0x12: {  	s13 =	sshll.u32 s7, $0x11;
	s16 =	sshll.u32 s7, $0xA;
	[dreg:$0x11] =	wrdreg s10  }
0x13: {  	s7 =	ssub.s32 $0x2, s7;
	[dreg:$0x12] =	wrdreg s12;
	s15 =	simm.s32 $0x9800  }
0x14: {  	s17 =	simm.s32 $0xA800;
	s18 =	simm.s32 $0xB800;
	[dreg:$0x14] =	wrdreg s15  }
0x15: {  	s19 =	simm.s32 $0xC000;
	s20 =	simm.s32 $0xC800;
	[dreg:$0x16] =	wrdreg s17  }
0x16: {  	s21 =	simm.s32 $0xD800;
	s23 =	simm.s32 $0xE800;
	[dreg:$0x17] =	wrdreg s18  }
0x17: {  	s24 =	simm.s32 $0xF800;
	s26 =	simm.s32 $0x10800;
	[dreg:$0x18] =	wrdreg s19  }
0x18: {  	s10 =	simm.s32 $0x0;
	s4 =	sadd.s32 s13, s4;
	[dreg:$0x19] =	wrdreg s20  }
0x19: {  	s8 =	sor.u32 s16, s14;
	s22 =	sshrl.u32 s7, $0x1;
	[dreg:$0x1a] =	wrdreg s21  }
0x1a: {  	s13 =	simm.s32 $0x8800;
	s16 =	simm.s32 $0xA000;
	[dreg:$0x1c] =	wrdreg s23  }
0x1b: {  	s15 =	simm.s32 $0x1;
	s17 =	simm.s32 $0x3000;
	[dreg:$0x1d] =	wrdreg s24  }
0x1c: {  	s18 =	simm.s32 $0x5000;
	s19 =	simm.s32 $0x7000;
	[dreg:$0x1f] =	wrdreg s26  }
0x1d: {  	s20 =	simm.s32 $0x9000;
	s21 =	simm.s32 $0xB000;
	[dreg:$0x7] =	wrdreg s4  }
0x1e: {  	s23 =	simm.s32 $0xF000;
	s8 =	sshrl.u32 s8, $0x3;
	[dreg:$0x13] =	wrdreg s13  }
0x1f: {  	s7 =	ssub.s32 s7, s22;
	[dreg:$0x15] =	wrdreg s16;
	s22 =	simm.s32 $0xE000  }
0x20: {  	s0 =	sadd.s32 s8, s0;
	s14 =	smax.u32 s7, $0x1;
	[dreg:$0x1b] =	wrdreg s22  }
0x21: {  	s24 =	simm.s32 $0x2;
	s25 =	sadd.s32 $0x3600, s0;
	[smem:$0x7FD] =	sst s14  }
0x22: {  	s26 =	simm.s32 $0x4;
	s9 =	sadd.s32 $0x2600, s0;
	[smem:$0x7F9] =	sst s25  }
0x23: {  	s16 =	simm.s32 $0x1000;
	s11 =	sadd.s32 $0x600, s0;
	[smem:$0x7FA] =	sst s9  }
0x24: {  	v0 =	vlaneseq.u32;
	s22 =	simm.s32 $0xD000;
	s0 =	sadd.s32 $0x1600, s0;
	[smem:$0x7FB] =	sst s11  }
0x25: {  	v1 =	vshrl.u32 v0, $0x3;
	s8 =	simm.s32 $0xF;
	[smem:$0x7FC] =	sst s0;
	s25 =	simm.s32 $0x10000  }
0x26: {  	vm0 =	vmmov $0xffff;
	v0 =	vand.u32 $0x7, v0;
	v1 =	vmul.u32 $0x8, v1;
	s9 =	simm.s32 $0x10;
	[dreg:$0x1e] =	wrdreg s25;
	s25 =	simm.s32 $0x3  }
.LBB2_1:
0x27: {  	s0 =	sld [smem:$0x7F9];
	_ =	sdelay $0x1  }
0x28: {  	s7 =	sld [smem:$0x7FA]  }
0x29: {  	[tilespmem:s6], [sflag:$0x1] =	stream.linear.gather [hbm4b:s0+s6], $0x400, $0x38;
	[tilespmem:$0x11000] =	vst v63  }
0x2a: {  	s4 =	simm.s32 $0x400;
	s11 =	sld [smem:$0x7FB]  }
0x2b: {  	[tilespmem:s4], [sflag:$0x1] =	stream.linear.gather [hbm4b:s7+s6], $0x400, $0x38;
	[tilespmem:$0x11000] =	vst v63  }
0x2c: {  	s12 =	simm.s32 $0x800;
	s13 =	sld [smem:$0x7FC]  }
0x2d: {  	[tilespmem:s12], [sflag:$0x1] =	stream.linear.gather [hbm4b:s11+s6], $0x400, $0x38;
	[tilespmem:$0x11000] =	vst v63  }
0x2e: {  	s14 =	simm.s32 $0xC00  }
0x2f: {  	[tilespmem:s14], [sflag:$0x1] =	stream.linear.gather [hbm4b:s13+s6], $0x400, $0x38;
	[tilespmem:$0x11000] =	vst v63  }
0x30: {  	_ =	swait.ge [sflag:s15], $0x400  }
0x31: {  	[sflag:s15] =	ssyncset.done $0x0  }
0x32: {  	[sflag:s15] =	ssyncadd.s32 $0xFFFFFC00  }
0x33: {  	_ =	swait.ge [sflag:s15], $0x400  }
0x34: {  	[sflag:s15] =	ssyncset.done $0x0  }
0x35: {  	[sflag:s15] =	ssyncadd.s32 $0xFFFFFC00  }
0x36: {  	_ =	swait.ge [sflag:s15], $0x400  }
0x37: {  	[sflag:s15] =	ssyncset.done $0x0  }
0x38: {  	[sflag:s15] =	ssyncadd.s32 $0xFFFFFC00  }
0x39: {  	s0 =	simm.s32 $0x820;
	_ =	swait.ge [sflag:s15], $0x400  }
0x3a: {  	s4 =	simm.s32 $0xC20;
	s11 =	simm.s32 $0x420;
	[sflag:s15] =	ssyncset.done $0x0  }
0x3b: {  	s12 =	simm.s32 $0x20;
	s13 =	simm.s32 $0x0;
	[sflag:s15] =	ssyncadd.s32 $0xFFFFFC00  }
.LBB2_2:
0x3c: {  	p0 =	seq.s32 s13, $0x0  }
0x3d: {  	s14 =	simm.s32 @!p0 $0x9  }
0x3e: {  	_ =	swait.ge @!p0 [sflag:s14], $0x2000  }
0x3f: {  	[sflag:s14] =	ssyncset.done @!p0 $0x0  }
0x40: {  	[sflag:s14] =	ssyncadd.s32 @!p0 $0xFFFFE000  }
0x41: {  	v2 =	vld.msk [tilespmem:s12+$0xFFFFFFE0], $0xff;
	_ =	sdelay $0x4  }
0x42: {  	v3 =	vshll.u32 v2, $0x1  }
0x43: {  	v2 =	vand.u32 $0x7, v2;
	v3 =	vand.u32 $0xFFFFFFF0, v3  }
0x44: {  	v2 =	vor.u32 v2, v3  }
0x45: {  	v2 =	vperm.xlane v2, v0;
	_ =	sdelay $0x1  }
0x46: {  	v2 =	vadd.s32 v1, v2;
	_ =	sdelay $0x4  }
0x47: {  	[tilespmem:s16], [sflag:$0x1] =	stream.indirect_vreg.gather [hbm4b:s1+s6], $0x80, v2, vm0, $0xb8;
	[tilespmem:$0x11000] =	vst v63  }
0x48: {  	v2 =	vld.msk [tilespmem:s11+$0xFFFFFFE0], $0xff;
	_ =	sdelay $0x4  }
0x49: {  	v3 =	vshll.u32 v2, $0x1  }
0x4a: {  	v2 =	vand.u32 $0x7, v2;
	v3 =	vand.u32 $0xFFFFFFF0, v3  }
0x4b: {  	v2 =	vor.u32 v2, v3  }
0x4c: {  	v2 =	vperm.xlane v2, v0;
	_ =	sdelay $0x1  }
0x4d: {  	v2 =	vadd.s32 v1, v2;
	_ =	sdelay $0x3  }
0x4e: {  	s7 =	rddreg [dreg:$0x8]  }
0x4f: {  	[tilespmem:s7], [sflag:$0x1] =	stream.indirect_vreg.gather [hbm4b:s2+s6], $0x80, v2, vm0, $0xb8;
	[tilespmem:$0x11000] =	vst v63  }
0x50: {  	v2 =	vld.msk [tilespmem:s0+$0xFFFFFFE0], $0xff;
	_ =	sdelay $0x4  }
0x51: {  	v3 =	vshll.u32 v2, $0x1  }
0x52: {  	v2 =	vand.u32 $0x7, v2;
	v3 =	vand.u32 $0xFFFFFFF0, v3  }
0x53: {  	v2 =	vor.u32 v2, v3  }
0x54: {  	v2 =	vperm.xlane v2, v0;
	_ =	sdelay $0x1  }
0x55: {  	v2 =	vadd.s32 v1, v2;
	_ =	sdelay $0x3  }
0x56: {  	s7 =	rddreg [dreg:$0x9]  }
0x57: {  	[tilespmem:s7], [sflag:$0x1] =	stream.indirect_vreg.gather [hbm4b:s3+s6], $0x80, v2, vm0, $0xb8;
	[tilespmem:$0x11000] =	vst v63  }
0x58: {  	v2 =	vld.msk [tilespmem:s4+$0xFFFFFFE0], $0xff;
	_ =	sdelay $0x4  }
0x59: {  	v3 =	vshll.u32 v2, $0x1  }
0x5a: {  	v2 =	vand.u32 $0x7, v2;
	v3 =	vand.u32 $0xFFFFFFF0, v3  }
0x5b: {  	v2 =	vor.u32 v2, v3  }
0x5c: {  	v2 =	vperm.xlane v2, v0;
	_ =	sdelay $0x1  }
0x5d: {  	v2 =	vadd.s32 v1, v2;
	_ =	sdelay $0x3  }
0x5e: {  	s14 =	simm.s32 @!p0 $0xA;
	s7 =	rddreg [dreg:$0xa]  }
0x5f: {  	[tilespmem:s7], [sflag:$0x1] =	stream.indirect_vreg.gather [hbm4b:s5+s6], $0x80, v2, vm0, $0xb8;
	[tilespmem:$0x11000] =	vst v63  }
0x60: {  	_ =	swait.ge @!p0 [sflag:s14], $0x2000  }
0x61: {  	[sflag:s14] =	ssyncset.done @!p0 $0x0  }
0x62: {  	[sflag:s14] =	ssyncadd.s32 @!p0 $0xFFFFE000  }
0x63: {  	v2 =	vld.msk [tilespmem:s12+$0xFFFFFFE8], $0xff;
	_ =	sdelay $0x4  }
0x64: {  	v3 =	vshll.u32 v2, $0x1  }
0x65: {  	v2 =	vand.u32 $0x7, v2;
	v3 =	vand.u32 $0xFFFFFFF0, v3  }
0x66: {  	v2 =	vor.u32 v2, v3  }
0x67: {  	v2 =	vperm.xlane v2, v0;
	_ =	sdelay $0x1  }
0x68: {  	v2 =	vadd.s32 v1, v2;
	_ =	sdelay $0x4  }
0x69: {  	[tilespmem:s17], [sflag:$0x2] =	stream.indirect_vreg.gather [hbm4b:s1+s6], $0x80, v2, vm0, $0xb8;
	[tilespmem:$0x11000] =	vst v63  }
0x6a: {  	v2 =	vld.msk [tilespmem:s11+$0xFFFFFFE8], $0xff;
	_ =	sdelay $0x4  }
0x6b: {  	v3 =	vshll.u32 v2, $0x1  }
0x6c: {  	v2 =	vand.u32 $0x7, v2;
	v3 =	vand.u32 $0xFFFFFFF0, v3  }
0x6d: {  	v2 =	vor.u32 v2, v3  }
0x6e: {  	v2 =	vperm.xlane v2, v0;
	_ =	sdelay $0x1  }
0x6f: {  	v2 =	vadd.s32 v1, v2;
	_ =	sdelay $0x3  }
0x70: {  	s7 =	rddreg [dreg:$0xb]  }
0x71: {  	[tilespmem:s7], [sflag:$0x2] =	stream.indirect_vreg.gather [hbm4b:s2+s6], $0x80, v2, vm0, $0xb8;
	[tilespmem:$0x11000] =	vst v63  }
0x72: {  	v2 =	vld.msk [tilespmem:s0+$0xFFFFFFE8], $0xff;
	_ =	sdelay $0x4  }
0x73: {  	v3 =	vshll.u32 v2, $0x1  }
0x74: {  	v2 =	vand.u32 $0x7, v2;
	v3 =	vand.u32 $0xFFFFFFF0, v3  }
0x75: {  	v2 =	vor.u32 v2, v3  }
0x76: {  	v2 =	vperm.xlane v2, v0;
	_ =	sdelay $0x1  }
0x77: {  	v2 =	vadd.s32 v1, v2;
	_ =	sdelay $0x3  }
0x78: {  	s7 =	rddreg [dreg:$0xc]  }
0x79: {  	[tilespmem:s7], [sflag:$0x2] =	stream.indirect_vreg.gather [hbm4b:s3+s6], $0x80, v2, vm0, $0xb8;
	[tilespmem:$0x11000] =	vst v63  }
0x7a: {  	v2 =	vld.msk [tilespmem:s4+$0xFFFFFFE8], $0xff;
	_ =	sdelay $0x4  }
0x7b: {  	v3 =	vshll.u32 v2, $0x1  }
0x7c: {  	v2 =	vand.u32 $0x7, v2;
	v3 =	vand.u32 $0xFFFFFFF0, v3  }
0x7d: {  	v2 =	vor.u32 v2, v3  }
0x7e: {  	v2 =	vperm.xlane v2, v0;
	_ =	sdelay $0x1  }
0x7f: {  	v2 =	vadd.s32 v1, v2;
	_ =	sdelay $0x3  }
0x80: {  	s14 =	simm.s32 @!p0 $0xB;
	s7 =	rddreg [dreg:$0xd]  }
0x81: {  	[tilespmem:s7], [sflag:$0x2] =	stream.indirect_vreg.gather [hbm4b:s5+s6], $0x80, v2, vm0, $0xb8;
	[tilespmem:$0x11000] =	vst v63  }
0x82: {  	_ =	swait.ge @!p0 [sflag:s14], $0x2000  }
0x83: {  	[sflag:s14] =	ssyncset.done @!p0 $0x0  }
0x84: {  	[sflag:s14] =	ssyncadd.s32 @!p0 $0xFFFFE000  }
0x85: {  	v2 =	vld.msk [tilespmem:s12+$0xFFFFFFF0], $0xff;
	_ =	sdelay $0x4  }
0x86: {  	v3 =	vshll.u32 v2, $0x1  }
0x87: {  	v2 =	vand.u32 $0x7, v2;
	v3 =	vand.u32 $0xFFFFFFF0, v3  }
0x88: {  	v2 =	vor.u32 v2, v3  }
0x89: {  	v2 =	vperm.xlane v2, v0;
	_ =	sdelay $0x1  }
0x8a: {  	v2 =	vadd.s32 v1, v2;
	_ =	sdelay $0x4  }
0x8b: {  	[tilespmem:s18], [sflag:$0x3] =	stream.indirect_vreg.gather [hbm4b:s1+s6], $0x80, v2, vm0, $0xb8;
	[tilespmem:$0x11000] =	vst v63  }
0x8c: {  	v2 =	vld.msk [tilespmem:s11+$0xFFFFFFF0], $0xff;
	_ =	sdelay $0x4  }
0x8d: {  	v3 =	vshll.u32 v2, $0x1  }
0x8e: {  	v2 =	vand.u32 $0x7, v2;
	v3 =	vand.u32 $0xFFFFFFF0, v3  }
0x8f: {  	v2 =	vor.u32 v2, v3  }
0x90: {  	v2 =	vperm.xlane v2, v0;
	_ =	sdelay $0x1  }
0x91: {  	v2 =	vadd.s32 v1, v2;
	_ =	sdelay $0x3  }
0x92: {  	s7 =	rddreg [dreg:$0xe]  }
0x93: {  	[tilespmem:s7], [sflag:$0x3] =	stream.indirect_vreg.gather [hbm4b:s2+s6], $0x80, v2, vm0, $0xb8;
	[tilespmem:$0x11000] =	vst v63  }
0x94: {  	v2 =	vld.msk [tilespmem:s0+$0xFFFFFFF0], $0xff;
	_ =	sdelay $0x4  }
0x95: {  	v3 =	vshll.u32 v2, $0x1  }
0x96: {  	v2 =	vand.u32 $0x7, v2;
	v3 =	vand.u32 $0xFFFFFFF0, v3  }
0x97: {  	v2 =	vor.u32 v2, v3  }
0x98: {  	v2 =	vperm.xlane v2, v0;
	_ =	sdelay $0x1  }
0x99: {  	v2 =	vadd.s32 v1, v2;
	_ =	sdelay $0x3  }
0x9a: {  	s7 =	rddreg [dreg:$0xf]  }
0x9b: {  	[tilespmem:s7], [sflag:$0x3] =	stream.indirect_vreg.gather [hbm4b:s3+s6], $0x80, v2, vm0, $0xb8;
	[tilespmem:$0x11000] =	vst v63  }
0x9c: {  	v2 =	vld.msk [tilespmem:s4+$0xFFFFFFF0], $0xff;
	_ =	sdelay $0x4  }
0x9d: {  	v3 =	vshll.u32 v2, $0x1  }
0x9e: {  	v2 =	vand.u32 $0x7, v2;
	v3 =	vand.u32 $0xFFFFFFF0, v3  }
0x9f: {  	v2 =	vor.u32 v2, v3  }
0xa0: {  	v2 =	vperm.xlane v2, v0;
	_ =	sdelay $0x1  }
0xa1: {  	v2 =	vadd.s32 v1, v2;
	_ =	sdelay $0x3  }
0xa2: {  	s14 =	simm.s32 @!p0 $0xC;
	s7 =	rddreg [dreg:$0x10]  }
0xa3: {  	[tilespmem:s7], [sflag:$0x3] =	stream.indirect_vreg.gather [hbm4b:s5+s6], $0x80, v2, vm0, $0xb8;
	[tilespmem:$0x11000] =	vst v63  }
0xa4: {  	_ =	swait.ge @!p0 [sflag:s14], $0x2000  }
0xa5: {  	[sflag:s14] =	ssyncset.done @!p0 $0x0  }
0xa6: {  	[sflag:s14] =	ssyncadd.s32 @!p0 $0xFFFFE000  }
0xa7: {  	v2 =	vld.msk [tilespmem:s12+$0xFFFFFFF8], $0xff;
	_ =	sdelay $0x4  }
0xa8: {  	v3 =	vshll.u32 v2, $0x1  }
0xa9: {  	v2 =	vand.u32 $0x7, v2;
	v3 =	vand.u32 $0xFFFFFFF0, v3  }
0xaa: {  	v2 =	vor.u32 v2, v3  }
0xab: {  	v2 =	vperm.xlane v2, v0;
	_ =	sdelay $0x1  }
0xac: {  	v2 =	vadd.s32 v1, v2;
	_ =	sdelay $0x4  }
0xad: {  	[tilespmem:s19], [sflag:$0x4] =	stream.indirect_vreg.gather [hbm4b:s1+s6], $0x80, v2, vm0, $0xb8;
	[tilespmem:$0x11000] =	vst v63  }
0xae: {  	v2 =	vld.msk [tilespmem:s11+$0xFFFFFFF8], $0xff;
	_ =	sdelay $0x4  }
0xaf: {  	v3 =	vshll.u32 v2, $0x1  }
0xb0: {  	v2 =	vand.u32 $0x7, v2;
	v3 =	vand.u32 $0xFFFFFFF0, v3  }
0xb1: {  	v2 =	vor.u32 v2, v3  }
0xb2: {  	v2 =	vperm.xlane v2, v0;
	_ =	sdelay $0x1  }
0xb3: {  	v2 =	vadd.s32 v1, v2;
	_ =	sdelay $0x3  }
0xb4: {  	s7 =	rddreg [dreg:$0x11]  }
0xb5: {  	[tilespmem:s7], [sflag:$0x4] =	stream.indirect_vreg.gather [hbm4b:s2+s6], $0x80, v2, vm0, $0xb8;
	[tilespmem:$0x11000] =	vst v63  }
0xb6: {  	v2 =	vld.msk [tilespmem:s0+$0xFFFFFFF8], $0xff;
	_ =	sdelay $0x4  }
0xb7: {  	v3 =	vshll.u32 v2, $0x1  }
0xb8: {  	v2 =	vand.u32 $0x7, v2;
	v3 =	vand.u32 $0xFFFFFFF0, v3  }
0xb9: {  	v2 =	vor.u32 v2, v3  }
0xba: {  	v2 =	vperm.xlane v2, v0;
	_ =	sdelay $0x1  }
0xbb: {  	v2 =	vadd.s32 v1, v2;
	_ =	sdelay $0x3  }
0xbc: {  	s7 =	rddreg [dreg:$0x12]  }
0xbd: {  	[tilespmem:s7], [sflag:$0x4] =	stream.indirect_vreg.gather [hbm4b:s3+s6], $0x80, v2, vm0, $0xb8;
	[tilespmem:$0x11000] =	vst v63  }
0xbe: {  	v2 =	vld.msk [tilespmem:s4+$0xFFFFFFF8], $0xff;
	_ =	sdelay $0x4  }
0xbf: {  	v3 =	vshll.u32 v2, $0x1  }
0xc0: {  	v2 =	vand.u32 $0x7, v2;
	v3 =	vand.u32 $0xFFFFFFF0, v3  }
0xc1: {  	v2 =	vor.u32 v2, v3  }
0xc2: {  	v2 =	vperm.xlane v2, v0;
	_ =	sdelay $0x1  }
0xc3: {  	v2 =	vadd.s32 v1, v2;
	_ =	sdelay $0x3  }
0xc4: {  	s14 =	simm.s32 @!p0 $0xD;
	s7 =	rddreg [dreg:$0x13]  }
0xc5: {  	[tilespmem:s7], [sflag:$0x4] =	stream.indirect_vreg.gather [hbm4b:s5+s6], $0x80, v2, vm0, $0xb8;
	[tilespmem:$0x11000] =	vst v63  }
0xc6: {  	_ =	swait.ge @!p0 [sflag:s14], $0x2000  }
0xc7: {  	[sflag:s14] =	ssyncset.done @!p0 $0x0  }
0xc8: {  	[sflag:s14] =	ssyncadd.s32 @!p0 $0xFFFFE000  }
0xc9: {  	v2 =	vld.msk [tilespmem:s12+$0x0], $0xff;
	_ =	sdelay $0x4  }
0xca: {  	v3 =	vshll.u32 v2, $0x1  }
0xcb: {  	v2 =	vand.u32 $0x7, v2;
	v3 =	vand.u32 $0xFFFFFFF0, v3  }
0xcc: {  	v2 =	vor.u32 v2, v3  }
0xcd: {  	v2 =	vperm.xlane v2, v0;
	_ =	sdelay $0x1  }
0xce: {  	v2 =	vadd.s32 v1, v2;
	_ =	sdelay $0x4  }
0xcf: {  	[tilespmem:s20], [sflag:$0x5] =	stream.indirect_vreg.gather [hbm4b:s1+s6], $0x80, v2, vm0, $0xb8;
	[tilespmem:$0x11000] =	vst v63  }
0xd0: {  	v2 =	vld.msk [tilespmem:s11+$0x0], $0xff;
	_ =	sdelay $0x4  }
0xd1: {  	v3 =	vshll.u32 v2, $0x1  }
0xd2: {  	v2 =	vand.u32 $0x7, v2;
	v3 =	vand.u32 $0xFFFFFFF0, v3  }
0xd3: {  	v2 =	vor.u32 v2, v3  }
0xd4: {  	v2 =	vperm.xlane v2, v0;
	_ =	sdelay $0x1  }
0xd5: {  	v2 =	vadd.s32 v1, v2;
	_ =	sdelay $0x3  }
0xd6: {  	s7 =	rddreg [dreg:$0x14]  }
0xd7: {  	[tilespmem:s7], [sflag:$0x5] =	stream.indirect_vreg.gather [hbm4b:s2+s6], $0x80, v2, vm0, $0xb8;
	[tilespmem:$0x11000] =	vst v63  }
0xd8: {  	v2 =	vld.msk [tilespmem:s0+$0x0], $0xff;
	_ =	sdelay $0x4  }
0xd9: {  	v3 =	vshll.u32 v2, $0x1  }
0xda: {  	v2 =	vand.u32 $0x7, v2;
	v3 =	vand.u32 $0xFFFFFFF0, v3  }
0xdb: {  	v2 =	vor.u32 v2, v3  }
0xdc: {  	v2 =	vperm.xlane v2, v0;
	_ =	sdelay $0x1  }
0xdd: {  	v2 =	vadd.s32 v1, v2;
	_ =	sdelay $0x3  }
0xde: {  	s7 =	rddreg [dreg:$0x15]  }
0xdf: {  	[tilespmem:s7], [sflag:$0x5] =	stream.indirect_vreg.gather [hbm4b:s3+s6], $0x80, v2, vm0, $0xb8;
	[tilespmem:$0x11000] =	vst v63  }
0xe0: {  	v2 =	vld.msk [tilespmem:s4+$0x0], $0xff;
	_ =	sdelay $0x4  }
0xe1: {  	v3 =	vshll.u32 v2, $0x1  }
0xe2: {  	v2 =	vand.u32 $0x7, v2;
	v3 =	vand.u32 $0xFFFFFFF0, v3  }
0xe3: {  	v2 =	vor.u32 v2, v3  }
0xe4: {  	v2 =	vperm.xlane v2, v0;
	_ =	sdelay $0x1  }
0xe5: {  	v2 =	vadd.s32 v1, v2;
	_ =	sdelay $0x3  }
0xe6: {  	s14 =	simm.s32 @!p0 $0xE;
	s7 =	rddreg [dreg:$0x16]  }
0xe7: {  	[tilespmem:s7], [sflag:$0x5] =	stream.indirect_vreg.gather [hbm4b:s5+s6], $0x80, v2, vm0, $0xb8;
	[tilespmem:$0x11000] =	vst v63  }
0xe8: {  	_ =	swait.ge @!p0 [sflag:s14], $0x2000  }
0xe9: {  	[sflag:s14] =	ssyncset.done @!p0 $0x0  }
0xea: {  	[sflag:s14] =	ssyncadd.s32 @!p0 $0xFFFFE000  }
0xeb: {  	v2 =	vld.msk [tilespmem:s12+$0x8], $0xff;
	_ =	sdelay $0x4  }
0xec: {  	v3 =	vshll.u32 v2, $0x1  }
0xed: {  	v2 =	vand.u32 $0x7, v2;
	v3 =	vand.u32 $0xFFFFFFF0, v3  }
0xee: {  	v2 =	vor.u32 v2, v3  }
0xef: {  	v2 =	vperm.xlane v2, v0;
	_ =	sdelay $0x1  }
0xf0: {  	v2 =	vadd.s32 v1, v2;
	_ =	sdelay $0x4  }
0xf1: {  	[tilespmem:s21], [sflag:$0x6] =	stream.indirect_vreg.gather [hbm4b:s1+s6], $0x80, v2, vm0, $0xb8;
	[tilespmem:$0x11000] =	vst v63  }
0xf2: {  	v2 =	vld.msk [tilespmem:s11+$0x8], $0xff;
	_ =	sdelay $0x4  }
0xf3: {  	v3 =	vshll.u32 v2, $0x1  }
0xf4: {  	v2 =	vand.u32 $0x7, v2;
	v3 =	vand.u32 $0xFFFFFFF0, v3  }
0xf5: {  	v2 =	vor.u32 v2, v3  }
0xf6: {  	v2 =	vperm.xlane v2, v0;
	_ =	sdelay $0x1  }
0xf7: {  	v2 =	vadd.s32 v1, v2;
	_ =	sdelay $0x3  }
0xf8: {  	s7 =	rddreg [dreg:$0x17]  }
0xf9: {  	[tilespmem:s7], [sflag:$0x6] =	stream.indirect_vreg.gather [hbm4b:s2+s6], $0x80, v2, vm0, $0xb8;
	[tilespmem:$0x11000] =	vst v63  }
0xfa: {  	v2 =	vld.msk [tilespmem:s0+$0x8], $0xff;
	_ =	sdelay $0x4  }
0xfb: {  	v3 =	vshll.u32 v2, $0x1  }
0xfc: {  	v2 =	vand.u32 $0x7, v2;
	v3 =	vand.u32 $0xFFFFFFF0, v3  }
0xfd: {  	v2 =	vor.u32 v2, v3  }
0xfe: {  	v2 =	vperm.xlane v2, v0;
	_ =	sdelay $0x1  }
0xff: {  	v2 =	vadd.s32 v1, v2;
	_ =	sdelay $0x3  }
0x100: {  	s7 =	rddreg [dreg:$0x18]  }
0x101: {  	[tilespmem:s7], [sflag:$0x6] =	stream.indirect_vreg.gather [hbm4b:s3+s6], $0x80, v2, vm0, $0xb8;
	[tilespmem:$0x11000] =	vst v63  }
0x102: {  	v2 =	vld.msk [tilespmem:s4+$0x8], $0xff;
	_ =	sdelay $0x4  }
0x103: {  	v3 =	vshll.u32 v2, $0x1  }
0x104: {  	v2 =	vand.u32 $0x7, v2;
	v3 =	vand.u32 $0xFFFFFFF0, v3  }
0x105: {  	v2 =	vor.u32 v2, v3  }
0x106: {  	v2 =	vperm.xlane v2, v0;
	_ =	sdelay $0x1  }
0x107: {  	v2 =	vadd.s32 v1, v2;
	_ =	sdelay $0x3  }
0x108: {  	s14 =	simm.s32 @!p0 $0xF;
	s7 =	rddreg [dreg:$0x19]  }
0x109: {  	[tilespmem:s7], [sflag:$0x6] =	stream.indirect_vreg.gather [hbm4b:s5+s6], $0x80, v2, vm0, $0xb8;
	[tilespmem:$0x11000] =	vst v63  }
0x10a: {  	_ =	swait.ge @!p0 [sflag:s14], $0x2000  }
0x10b: {  	[sflag:s14] =	ssyncset.done @!p0 $0x0  }
0x10c: {  	[sflag:s14] =	ssyncadd.s32 @!p0 $0xFFFFE000  }
0x10d: {  	v2 =	vld.msk [tilespmem:s12+$0x10], $0xff;
	_ =	sdelay $0x4  }
0x10e: {  	v3 =	vshll.u32 v2, $0x1  }
0x10f: {  	v2 =	vand.u32 $0x7, v2;
	v3 =	vand.u32 $0xFFFFFFF0, v3  }
0x110: {  	v2 =	vor.u32 v2, v3  }
0x111: {  	v2 =	vperm.xlane v2, v0;
	_ =	sdelay $0x1  }
0x112: {  	v2 =	vadd.s32 v1, v2;
	_ =	sdelay $0x4  }
0x113: {  	[tilespmem:s22], [sflag:$0x7] =	stream.indirect_vreg.gather [hbm4b:s1+s6], $0x80, v2, vm0, $0xb8;
	[tilespmem:$0x11000] =	vst v63  }
0x114: {  	v2 =	vld.msk [tilespmem:s11+$0x10], $0xff;
	_ =	sdelay $0x4  }
0x115: {  	v3 =	vshll.u32 v2, $0x1  }
0x116: {  	v2 =	vand.u32 $0x7, v2;
	v3 =	vand.u32 $0xFFFFFFF0, v3  }
0x117: {  	v2 =	vor.u32 v2, v3  }
0x118: {  	v2 =	vperm.xlane v2, v0;
	_ =	sdelay $0x1  }
0x119: {  	v2 =	vadd.s32 v1, v2;
	_ =	sdelay $0x3  }
0x11a: {  	s7 =	rddreg [dreg:$0x1a]  }
0x11b: {  	[tilespmem:s7], [sflag:$0x7] =	stream.indirect_vreg.gather [hbm4b:s2+s6], $0x80, v2, vm0, $0xb8;
	[tilespmem:$0x11000] =	vst v63  }
0x11c: {  	v2 =	vld.msk [tilespmem:s0+$0x10], $0xff;
	_ =	sdelay $0x4  }
0x11d: {  	v3 =	vshll.u32 v2, $0x1  }
0x11e: {  	v2 =	vand.u32 $0x7, v2;
	v3 =	vand.u32 $0xFFFFFFF0, v3  }
0x11f: {  	v2 =	vor.u32 v2, v3  }
0x120: {  	v2 =	vperm.xlane v2, v0;
	_ =	sdelay $0x1  }
0x121: {  	v2 =	vadd.s32 v1, v2;
	_ =	sdelay $0x3  }
0x122: {  	s7 =	rddreg [dreg:$0x1b]  }
0x123: {  	[tilespmem:s7], [sflag:$0x7] =	stream.indirect_vreg.gather [hbm4b:s3+s6], $0x80, v2, vm0, $0xb8;
	[tilespmem:$0x11000] =	vst v63  }
0x124: {  	v2 =	vld.msk [tilespmem:s4+$0x10], $0xff;
	_ =	sdelay $0x4  }
0x125: {  	v3 =	vshll.u32 v2, $0x1  }
0x126: {  	v2 =	vand.u32 $0x7, v2;
	v3 =	vand.u32 $0xFFFFFFF0, v3  }
0x127: {  	v2 =	vor.u32 v2, v3  }
0x128: {  	v2 =	vperm.xlane v2, v0;
	_ =	sdelay $0x1  }
0x129: {  	v2 =	vadd.s32 v1, v2;
	_ =	sdelay $0x3  }
0x12a: {  	s14 =	simm.s32 @!p0 $0x10;
	s7 =	rddreg [dreg:$0x1c]  }
0x12b: {  	[tilespmem:s7], [sflag:$0x7] =	stream.indirect_vreg.gather [hbm4b:s5+s6], $0x80, v2, vm0, $0xb8;
	[tilespmem:$0x11000] =	vst v63  }
0x12c: {  	_ =	swait.ge @!p0 [sflag:s14], $0x2000  }
0x12d: {  	[sflag:s14] =	ssyncset.done @!p0 $0x0  }
0x12e: {  	[sflag:s14] =	ssyncadd.s32 @!p0 $0xFFFFE000  }
0x12f: {  	v2 =	vld.msk [tilespmem:s12+$0x18], $0xff;
	_ =	sdelay $0x4  }
0x130: {  	v3 =	vshll.u32 v2, $0x1  }
0x131: {  	v2 =	vand.u32 $0x7, v2;
	v3 =	vand.u32 $0xFFFFFFF0, v3  }
0x132: {  	v2 =	vor.u32 v2, v3  }
0x133: {  	v2 =	vperm.xlane v2, v0;
	_ =	sdelay $0x1  }
0x134: {  	v2 =	vadd.s32 v1, v2;
	_ =	sdelay $0x4  }
0x135: {  	[tilespmem:s23], [sflag:$0x8] =	stream.indirect_vreg.gather [hbm4b:s1+s6], $0x80, v2, vm0, $0xb8;
	[tilespmem:$0x11000] =	vst v63  }
0x136: {  	v2 =	vld.msk [tilespmem:s11+$0x18], $0xff;
	_ =	sdelay $0x4  }
0x137: {  	v3 =	vshll.u32 v2, $0x1  }
0x138: {  	v2 =	vand.u32 $0x7, v2;
	v3 =	vand.u32 $0xFFFFFFF0, v3  }
0x139: {  	v2 =	vor.u32 v2, v3  }
0x13a: {  	v2 =	vperm.xlane v2, v0;
	_ =	sdelay $0x1  }
0x13b: {  	v2 =	vadd.s32 v1, v2;
	_ =	sdelay $0x3  }
0x13c: {  	s7 =	rddreg [dreg:$0x1d]  }
0x13d: {  	[tilespmem:s7], [sflag:$0x8] =	stream.indirect_vreg.gather [hbm4b:s2+s6], $0x80, v2, vm0, $0xb8;
	[tilespmem:$0x11000] =	vst v63  }
0x13e: {  	v2 =	vld.msk [tilespmem:s0+$0x18], $0xff;
	_ =	sdelay $0x4  }
0x13f: {  	v3 =	vshll.u32 v2, $0x1  }
0x140: {  	v2 =	vand.u32 $0x7, v2;
	v3 =	vand.u32 $0xFFFFFFF0, v3  }
0x141: {  	v2 =	vor.u32 v2, v3  }
0x142: {  	v2 =	vperm.xlane v2, v0;
	_ =	sdelay $0x1  }
0x143: {  	v2 =	vadd.s32 v1, v2;
	_ =	sdelay $0x3  }
0x144: {  	s7 =	rddreg [dreg:$0x1e]  }
0x145: {  	[tilespmem:s7], [sflag:$0x8] =	stream.indirect_vreg.gather [hbm4b:s3+s6], $0x80, v2, vm0, $0xb8;
	[tilespmem:$0x11000] =	vst v63  }
0x146: {  	v2 =	vld.msk [tilespmem:s4+$0x18], $0xff;
	_ =	sdelay $0x4  }
0x147: {  	v3 =	vshll.u32 v2, $0x1  }
0x148: {  	v2 =	vand.u32 $0x7, v2;
	v3 =	vand.u32 $0xFFFFFFF0, v3  }
0x149: {  	v2 =	vor.u32 v2, v3  }
0x14a: {  	v2 =	vperm.xlane v2, v0;
	_ =	sdelay $0x1  }
0x14b: {  	v2 =	vadd.s32 v1, v2;
	_ =	sdelay $0x3  }
0x14c: {  	s7 =	rddreg [dreg:$0x1f]  }
0x14d: {  	[tilespmem:s7], [sflag:$0x8] =	stream.indirect_vreg.gather [hbm4b:s5+s6], $0x80, v2, vm0, $0xb8;
	[tilespmem:$0x11000] =	vst v63  }
0x14e: {  	_ =	swait.ge [sflag:s15], $0x800  }
0x14f: {  	[sflag:s15] =	ssyncset.done $0x0  }
0x150: {  	[sflag:s15] =	ssyncadd.s32 $0xFFFFF800  }
0x151: {  	_ =	swait.ge [sflag:s15], $0x800  }
0x152: {  	[sflag:s15] =	ssyncset.done $0x0  }
0x153: {  	[sflag:s15] =	ssyncadd.s32 $0xFFFFF800  }
0x154: {  	_ =	swait.ge [sflag:s15], $0x800  }
0x155: {  	[sflag:s15] =	ssyncset.done $0x0  }
0x156: {  	[sflag:s15] =	ssyncadd.s32 $0xFFFFF800  }
0x157: {  	_ =	swait.ge [sflag:s15], $0x800  }
0x158: {  	s7 =	rddreg [dreg:$0x7];
	[sflag:s15] =	ssyncset.done $0x0  }
0x159: {  	[sflag:s15] =	ssyncadd.s32 $0xFFFFF800;
	s14 =	sadd.s32 s13, s7  }
0x15a: {  	[hbm4b:s14+s6] =	stream.linear.scatter [tilespmem:s16], [sflag:$0x9], $0x2000, $0x38;
	[tilespmem:$0x11000] =	vst v63  }
0x15b: {  	_ =	swait.ge [sflag:s24], $0x800  }
0x15c: {  	[sflag:s24] =	ssyncset.done $0x0  }
0x15d: {  	[sflag:s24] =	ssyncadd.s32 $0xFFFFF800  }
0x15e: {  	_ =	swait.ge [sflag:s24], $0x800  }
0x15f: {  	[sflag:s24] =	ssyncset.done $0x0  }
0x160: {  	[sflag:s24] =	ssyncadd.s32 $0xFFFFF800  }
0x161: {  	_ =	swait.ge [sflag:s24], $0x800  }
0x162: {  	[sflag:s24] =	ssyncset.done $0x0  }
0x163: {  	[sflag:s24] =	ssyncadd.s32 $0xFFFFF800  }
0x164: {  	_ =	swait.ge [sflag:s24], $0x800  }
0x165: {  	[sflag:s24] =	ssyncset.done $0x0  }
0x166: {  	s7 =	sadd.s32 $0x400, s14;
	[sflag:s24] =	ssyncadd.s32 $0xFFFFF800  }
0x167: {  	[hbm4b:s7+s6] =	stream.linear.scatter [tilespmem:s17], [sflag:$0xA], $0x2000, $0x38;
	[tilespmem:$0x11000] =	vst v63  }
0x168: {  	_ =	swait.ge [sflag:s25], $0x800  }
0x169: {  	[sflag:s25] =	ssyncset.done $0x0  }
0x16a: {  	[sflag:s25] =	ssyncadd.s32 $0xFFFFF800  }
0x16b: {  	_ =	swait.ge [sflag:s25], $0x800  }
0x16c: {  	[sflag:s25] =	ssyncset.done $0x0  }
0x16d: {  	[sflag:s25] =	ssyncadd.s32 $0xFFFFF800  }
0x16e: {  	_ =	swait.ge [sflag:s25], $0x800  }
0x16f: {  	[sflag:s25] =	ssyncset.done $0x0  }
0x170: {  	[sflag:s25] =	ssyncadd.s32 $0xFFFFF800  }
0x171: {  	_ =	swait.ge [sflag:s25], $0x800  }
0x172: {  	[sflag:s25] =	ssyncset.done $0x0  }
0x173: {  	s7 =	sadd.s32 $0x800, s14;
	[sflag:s25] =	ssyncadd.s32 $0xFFFFF800  }
0x174: {  	[hbm4b:s7+s6] =	stream.linear.scatter [tilespmem:s18], [sflag:$0xB], $0x2000, $0x38;
	[tilespmem:$0x11000] =	vst v63  }
0x175: {  	_ =	swait.ge [sflag:s26], $0x800  }
0x176: {  	[sflag:s26] =	ssyncset.done $0x0  }
0x177: {  	[sflag:s26] =	ssyncadd.s32 $0xFFFFF800  }
0x178: {  	_ =	swait.ge [sflag:s26], $0x800  }
0x179: {  	[sflag:s26] =	ssyncset.done $0x0  }
0x17a: {  	[sflag:s26] =	ssyncadd.s32 $0xFFFFF800  }
0x17b: {  	_ =	swait.ge [sflag:s26], $0x800  }
0x17c: {  	[sflag:s26] =	ssyncset.done $0x0  }
0x17d: {  	[sflag:s26] =	ssyncadd.s32 $0xFFFFF800  }
0x17e: {  	_ =	swait.ge [sflag:s26], $0x800  }
0x17f: {  	[sflag:s26] =	ssyncset.done $0x0  }
0x180: {  	s7 =	sadd.s32 $0xC00, s14;
	[sflag:s26] =	ssyncadd.s32 $0xFFFFF800  }
0x181: {  	[hbm4b:s7+s6] =	stream.linear.scatter [tilespmem:s19], [sflag:$0xC], $0x2000, $0x38;
	[tilespmem:$0x11000] =	vst v63  }
0x182: {  	_ =	swait.ge [sflag:s28], $0x800  }
0x183: {  	[sflag:s28] =	ssyncset.done $0x0  }
0x184: {  	[sflag:s28] =	ssyncadd.s32 $0xFFFFF800  }
0x185: {  	_ =	swait.ge [sflag:s28], $0x800  }
0x186: {  	[sflag:s28] =	ssyncset.done $0x0  }
0x187: {  	[sflag:s28] =	ssyncadd.s32 $0xFFFFF800  }
0x188: {  	_ =	swait.ge [sflag:s28], $0x800  }
0x189: {  	[sflag:s28] =	ssyncset.done $0x0  }
0x18a: {  	[sflag:s28] =	ssyncadd.s32 $0xFFFFF800  }
0x18b: {  	_ =	swait.ge [sflag:s28], $0x800  }
0x18c: {  	[sflag:s28] =	ssyncset.done $0x0  }
0x18d: {  	s7 =	sadd.s32 $0x1000, s14;
	[sflag:s28] =	ssyncadd.s32 $0xFFFFF800  }
0x18e: {  	[hbm4b:s7+s6] =	stream.linear.scatter [tilespmem:s20], [sflag:$0xD], $0x2000, $0x38;
	[tilespmem:$0x11000] =	vst v63  }
0x18f: {  	_ =	swait.ge [sflag:s29], $0x800  }
0x190: {  	[sflag:s29] =	ssyncset.done $0x0  }
0x191: {  	[sflag:s29] =	ssyncadd.s32 $0xFFFFF800  }
0x192: {  	_ =	swait.ge [sflag:s29], $0x800  }
0x193: {  	[sflag:s29] =	ssyncset.done $0x0  }
0x194: {  	[sflag:s29] =	ssyncadd.s32 $0xFFFFF800  }
0x195: {  	_ =	swait.ge [sflag:s29], $0x800  }
0x196: {  	[sflag:s29] =	ssyncset.done $0x0  }
0x197: {  	[sflag:s29] =	ssyncadd.s32 $0xFFFFF800  }
0x198: {  	_ =	swait.ge [sflag:s29], $0x800  }
0x199: {  	[sflag:s29] =	ssyncset.done $0x0  }
0x19a: {  	s7 =	sadd.s32 $0x1400, s14;
	[sflag:s29] =	ssyncadd.s32 $0xFFFFF800  }
0x19b: {  	[hbm4b:s7+s6] =	stream.linear.scatter [tilespmem:s21], [sflag:$0xE], $0x2000, $0x38;
	[tilespmem:$0x11000] =	vst v63  }
0x19c: {  	_ =	swait.ge [sflag:s30], $0x800  }
0x19d: {  	[sflag:s30] =	ssyncset.done $0x0  }
0x19e: {  	[sflag:s30] =	ssyncadd.s32 $0xFFFFF800  }
0x19f: {  	_ =	swait.ge [sflag:s30], $0x800  }
0x1a0: {  	[sflag:s30] =	ssyncset.done $0x0  }
0x1a1: {  	[sflag:s30] =	ssyncadd.s32 $0xFFFFF800  }
0x1a2: {  	_ =	swait.ge [sflag:s30], $0x800  }
0x1a3: {  	[sflag:s30] =	ssyncset.done $0x0  }
0x1a4: {  	[sflag:s30] =	ssyncadd.s32 $0xFFFFF800  }
0x1a5: {  	_ =	swait.ge [sflag:s30], $0x800  }
0x1a6: {  	[sflag:s30] =	ssyncset.done $0x0  }
0x1a7: {  	s7 =	sadd.s32 $0x1800, s14;
	[sflag:s30] =	ssyncadd.s32 $0xFFFFF800  }
0x1a8: {  	[hbm4b:s7+s6] =	stream.linear.scatter [tilespmem:s22], [sflag:$0xF], $0x2000, $0x38;
	[tilespmem:$0x11000] =	vst v63  }
0x1a9: {  	_ =	swait.ge [sflag:s31], $0x800  }
0x1aa: {  	[sflag:s31] =	ssyncset.done $0x0  }
0x1ab: {  	[sflag:s31] =	ssyncadd.s32 $0xFFFFF800  }
0x1ac: {  	_ =	swait.ge [sflag:s31], $0x800  }
0x1ad: {  	[sflag:s31] =	ssyncset.done $0x0  }
0x1ae: {  	[sflag:s31] =	ssyncadd.s32 $0xFFFFF800  }
0x1af: {  	s13 =	sadd.s32 $0x2000, s13;
	_ =	swait.ge [sflag:s31], $0x800  }
0x1b0: {  	p0 =	sne.s32 s13, $0x20000;
	[sflag:s31] =	ssyncset.done $0x0  }
.Ltmp0:
0x1b1: {  	[sflag:s31] =	ssyncadd.s32 $0xFFFFF800;
	(pc) =	sbr.rel @p0 .LBB2_2-.Ltmp0, $4  }
0x1b2: {  	s12 =	sadd.s32 $0x40, s12;
	_ =	swait.ge [sflag:s31], $0x800  }
0x1b3: {  	s11 =	sadd.s32 $0x40, s11;
	s0 =	sadd.s32 $0x40, s0;
	[sflag:s31] =	ssyncset.done $0x0  }
0x1b4: {  	s4 =	sadd.s32 $0x40, s4;
	s14 =	sadd.s32 $0x1C00, s14;
	[sflag:s31] =	ssyncadd.s32 $0xFFFFF800  }
0x1b5: {  	[hbm4b:s14+s6] =	stream.linear.scatter [tilespmem:s23], [sflag:$0x10], $0x2000, $0x38;
	[tilespmem:$0x11000] =	vst v63  }
0x1b6: {  	s0 =	simm.s32 $0x9  }
0x1b7: {  	_ =	swait.ge [sflag:s0], $0x2000  }
0x1b8: {  	[sflag:s0] =	ssyncset.done $0x0  }
0x1b9: {  	s4 =	simm.s32 $0xA;
	[sflag:s0] =	ssyncadd.s32 $0xFFFFE000  }
0x1ba: {  	_ =	swait.ge [sflag:s4], $0x2000  }
0x1bb: {  	[sflag:s4] =	ssyncset.done $0x0  }
0x1bc: {  	s7 =	simm.s32 $0xB;
	[sflag:s4] =	ssyncadd.s32 $0xFFFFE000  }
0x1bd: {  	_ =	swait.ge [sflag:s7], $0x2000  }
0x1be: {  	[sflag:s7] =	ssyncset.done $0x0  }
0x1bf: {  	s11 =	simm.s32 $0xC;
	[sflag:s7] =	ssyncadd.s32 $0xFFFFE000  }
0x1c0: {  	_ =	swait.ge [sflag:s11], $0x2000  }
0x1c1: {  	[sflag:s11] =	ssyncset.done $0x0  }
0x1c2: {  	s12 =	simm.s32 $0xD;
	[sflag:s11] =	ssyncadd.s32 $0xFFFFE000  }
0x1c3: {  	_ =	swait.ge [sflag:s12], $0x2000  }
0x1c4: {  	[sflag:s12] =	ssyncset.done $0x0  }
0x1c5: {  	s13 =	simm.s32 $0xE;
	[sflag:s12] =	ssyncadd.s32 $0xFFFFE000  }
0x1c6: {  	_ =	swait.ge [sflag:s13], $0x2000  }
0x1c7: {  	[sflag:s13] =	ssyncset.done $0x0  }
0x1c8: {  	[sflag:s13] =	ssyncadd.s32 $0xFFFFE000  }
0x1c9: {  	_ =	swait.ge [sflag:s8], $0x2000  }
0x1ca: {  	[sflag:s8] =	ssyncset.done $0x0  }
0x1cb: {  	[sflag:s8] =	ssyncadd.s32 $0xFFFFE000  }
0x1cc: {  	_ =	swait.ge [sflag:s9], $0x2000  }
0x1cd: {  	s14 =	sld [smem:$0x7FD];
	_ =	sdelay $0x1  }
0x1ce: {  	s10 =	sadd.s32 $0x1, s10  }
0x1cf: {  	p0 =	sne.s32 s10, s14  }
.Ltmp1:
0x1d0: {  	_ = 	snop;
	(pc) =	sbr.rel @p0 .LBB2_1-.Ltmp1, $3  }
0x1d1: {  	_ =	sdelay $0x1  }
0x1d2: {  	[sflag:s9] =	ssyncset.done $0x0  }
0x1d3: {  	[sflag:s9] =	ssyncadd.s32 $0xFFFFE000  }
0x1d4: {  	_ =	sfence.sel $0x180000  }
0x1d5: {  	[bflag:$0x0] =	sbarrier.arrive $0xFFFF  }
0x1d6: {  	_ =	strace $0x90000047  }
0x1d7: {  	s0 =	stileid.u32;
	[bflag:$0x2] =	sbarrier.arrive $0xFFFF  }
0x1d8: {  	p0 =	sne.s32 s0, $0x0;
	s0 =	rddreg [dreg:$0x6]  }
0x1d9: {  	s0 =	sadd.s32 @!p0 $0x100000, s0  }
0x1da: {  	[sflag:s0] =	ssyncadd.tile.s32 @!p0 $0x1;
	_ =	shalt  }
.Lfunc_end2:
_tile_overlayer_lowered:
.L_overlay_start_2:
0x1db: {  	(tag) =	ssettag $0x2  }
0x1dc: {  	s0 =	rddreg [dreg:$0x0];
	s2 =	stileid.u32  }
0x1dd: {  	s1 =	rddreg [dreg:$0x1];
	p0 =	sne.s32 s2, $0x0  }
0x1de: {  	s3 =	rddreg [dreg:$0x2];
	[bflag:$0x3] =	sbarrier.arrive $0xFFFF;
	s2 =	simm.s32 @!p0 $0x1C11  }
0x1df: {  	[timem:s3], [sflag:s2] =	dma.local @!p0 [hbm:s0], s1  }
0x1e0: {  	s0 =	simm.s32 @!p0 $0x11  }
0x1e1: {  	_ =	swait.ge @!p0 [sflag:s0], s1  }
0x1e2: {  	s1 =	ssub.s32 @!p0 $0x0, s1;
	[sflag:s0] =	ssyncset.done @!p0 $0x0  }
0x1e3: {  	[sflag:s0] =	ssyncadd.s32 @!p0 s1  }
0x1e4: {  	[bflag:$0x3] =	sbarrier.arrive $0xFFFF  }
0x1e5: {  	_ =	shalt  }

</sc_bundles>
